<compile_context>
chip_gen: v7x
topology: tpu7x:2x2x1
jax: 0.10.2.dev20260603
libtpu: 0.0.44.dev20260713+nightly
codegen_flags: <defaults>
</compile_context>

<pallas_src>
import functools

import jax
import jax.numpy as jnp
import numpy as np
from jax import lax
from jax.experimental import pallas as pl
from jax.experimental.pallas import tpu as pltpu
from jax.experimental.pallas import tpu_sc as plsc

_N = 8388608
_NC = 2
_NS = 16
_NW = _NC * _NS
_L = 16

_EDGE10 = float(np.float32(1.0) + np.float32(1e-6))
_MOMENTUM = 0.5


def _make_sc_partials(n_total, chunk):
    per_w = n_total // _NW
    chunks = per_w // chunk
    vecs = chunk // _L
    assert per_w * _NW == n_total and chunks * chunk == per_w and vecs * _L == chunk

    assert chunks % 2 == 0

    def body(pred_hbm, target_hbm, out_hbm, pa, ta, pb, tb, acc_v, sem_a, sem_b):
        wid = lax.axis_index("s") * _NC + lax.axis_index("c")
        base = wid * per_w

        zeros = jnp.zeros((_L,), jnp.float32)
        ones = jnp.ones((_L,), jnp.float32)
        neg_big = jnp.full((_L,), -1e30, jnp.float32)

        def start(bp, bt, sem, c):
            s0 = base + c * chunk
            pltpu.async_copy(pred_hbm.at[pl.ds(s0, chunk)], bp, sem)
            pltpu.async_copy(target_hbm.at[pl.ds(s0, chunk)], bt, sem)

        def wait(bp, bt, sem, c):
            s0 = base + c * chunk
            pltpu.make_async_copy(pred_hbm.at[pl.ds(s0, chunk)], bp, sem).wait()
            pltpu.make_async_copy(target_hbm.at[pl.ds(s0, chunk)], bt, sem).wait()

        def compute(pbuf, tbuf, carry):
            M, S, B, A, Bgt, Agt, cnt = carry

            def pass1(i, c1):
                cm, B, A, Bgt, Agt, cnt = c1
                v = pbuf[pl.ds(i * _L, _L)]
                t = tbuf[pl.ds(i * _L, _L)]
                cm = jnp.maximum(cm, v)
                tp = t * v
                B = B + t
                A = A + tp
                gt = t > v
                Bgt = Bgt + jnp.where(gt, t, zeros)
                Agt = Agt + jnp.where(gt, tp, zeros)
                sg = 1.0 / (1.0 + jnp.exp(-v))
                g = jnp.abs(sg - t)
                cnt = cnt + jnp.where(g <= _EDGE10, ones, zeros)
                return (cm, B, A, Bgt, Agt, cnt)

            cm, B, A, Bgt, Agt, cnt = lax.fori_loop(
                0, vecs, pass1, (neg_big, B, A, Bgt, Agt, cnt), unroll=4)

            Mn = jnp.maximum(M, cm)
            S = S * jnp.exp(M - Mn)

            def pass2(i, s):
                v = pbuf[pl.ds(i * _L, _L)]
                return s + jnp.exp(v - Mn)

            S = lax.fori_loop(0, vecs, pass2, S, unroll=4)
            return (Mn, S, B, A, Bgt, Agt, cnt)

        start(pa, ta, sem_a, 0)

        def pair_body(i, carry):
            c0 = 2 * i
            start(pb, tb, sem_b, c0 + 1)
            wait(pa, ta, sem_a, c0)
            carry = compute(pa, ta, carry)

            @pl.when(c0 + 2 < chunks)
            def _():
                start(pa, ta, sem_a, c0 + 2)

            wait(pb, tb, sem_b, c0 + 1)
            carry = compute(pb, tb, carry)
            return carry

        init = (neg_big, zeros, zeros, zeros, zeros, zeros, zeros)
        M, S, B, A, Bgt, Agt, cnt = lax.fori_loop(0, chunks // 2, pair_body, init)

        acc_v[0] = M
        acc_v[1] = S
        acc_v[2] = B
        acc_v[3] = A
        acc_v[4] = Bgt
        acc_v[5] = Agt
        acc_v[6] = cnt
        acc_v[7] = zeros
        pltpu.sync_copy(acc_v, out_hbm.at[wid])

    return pl.kernel(
        body,
        out_type=jax.ShapeDtypeStruct((_NW, 8, _L), jnp.float32),
        mesh=plsc.VectorSubcoreMesh(
            core_axis_name="c", subcore_axis_name="s",
            num_cores=_NC, num_subcores=_NS),
        scratch_types=[
            pltpu.VMEM((chunk,), jnp.float32),
            pltpu.VMEM((chunk,), jnp.float32),
            pltpu.VMEM((chunk,), jnp.float32),
            pltpu.VMEM((chunk,), jnp.float32),
            pltpu.VMEM((8, _L), jnp.float32),
            pltpu.SemaphoreType.DMA,
            pltpu.SemaphoreType.DMA,
        ],
    )


_SC_N = 2621440
_TC_BN = 524288
_TC_BLOCKS = (_N - _SC_N) // _TC_BN


def _tc_body(p_ref, t_ref, out_ref,
             m_v, s_v, b_v, a_v, bgt_v, agt_v, cnt_v):
    i = pl.program_id(0)

    @pl.when(i == 0)
    def _():
        m_v[...] = jnp.full_like(m_v, -1e30)
        s_v[...] = jnp.zeros_like(s_v)
        b_v[...] = jnp.zeros_like(b_v)
        a_v[...] = jnp.zeros_like(a_v)
        bgt_v[...] = jnp.zeros_like(bgt_v)
        agt_v[...] = jnp.zeros_like(agt_v)
        cnt_v[...] = jnp.zeros_like(cnt_v)

    p3 = p_ref[...].reshape(_TC_BN // 1024, 8, 128)
    t3 = t_ref[...].reshape(_TC_BN // 1024, 8, 128)
    z3 = jnp.zeros_like(t3)
    tp = t3 * p3
    gt = t3 > p3
    sg = 1.0 / (1.0 + jnp.exp(-p3))
    g = jnp.abs(sg - t3)
    b_v[...] += jnp.sum(t3, axis=0)
    a_v[...] += jnp.sum(tp, axis=0)
    bgt_v[...] += jnp.sum(jnp.where(gt, t3, z3), axis=0)
    agt_v[...] += jnp.sum(jnp.where(gt, tp, z3), axis=0)
    cnt_v[...] += jnp.sum(jnp.where(g <= _EDGE10, jnp.ones_like(t3), z3), axis=0)
    M = m_v[...]
    Mn = jnp.maximum(M, jnp.max(p3, axis=0))
    s_v[...] = s_v[...] * jnp.exp(M - Mn) + jnp.sum(jnp.exp(p3 - Mn[None]), axis=0)
    m_v[...] = Mn

    @pl.when(i == _TC_BLOCKS - 1)
    def _():
        out_ref[0] = m_v[...]
        out_ref[1] = s_v[...]
        out_ref[2] = b_v[...]
        out_ref[3] = a_v[...]
        out_ref[4] = bgt_v[...]
        out_ref[5] = agt_v[...]
        out_ref[6] = cnt_v[...]


def _tc_partials(pred, target):
    in_spec = pl.BlockSpec((_TC_BN,), lambda i: (_SC_N // _TC_BN + i,))
    out_spec = pl.BlockSpec((7, 8, 128), lambda i: (0, 0, 0))
    return pl.pallas_call(
        _tc_body,
        grid=(_TC_BLOCKS,),
        in_specs=[in_spec, in_spec],
        out_specs=out_spec,
        out_shape=jax.ShapeDtypeStruct((7, 8, 128), jnp.float32),
        scratch_shapes=[pltpu.VMEM((8, 128), jnp.float32)] * 7,
    )(pred, target)


def _combine_body(sc_ref, tc_ref, out_ref):
    sc = sc_ref[...]
    M_tc = tc_ref[0]
    Mg = jnp.maximum(jnp.max(sc[:, 0, :]), jnp.max(M_tc))
    S_tot = (jnp.sum(sc[:, 1, :] * jnp.exp(sc[:, 0, :] - Mg))
             + jnp.sum(tc_ref[1] * jnp.exp(M_tc - Mg)))
    logZ = Mg + jnp.log(S_tot)
    B = jnp.sum(sc[:, 2, :]) + jnp.sum(tc_ref[2])
    A = jnp.sum(sc[:, 3, :]) + jnp.sum(tc_ref[3])
    Bgt = jnp.sum(sc[:, 4, :]) + jnp.sum(tc_ref[4])
    Agt = jnp.sum(sc[:, 5, :]) + jnp.sum(tc_ref[5])
    cnt = jnp.sum(sc[:, 6, :]) + jnp.sum(tc_ref[6])
    acc_sum = (1.0 - _MOMENTUM) * cnt
    total_neg = jnp.float32(_N) - acc_sum
    total_pos = jnp.maximum(acc_sum, 1.0)
    ratio = total_neg / total_pos
    r1 = ratio - 1.0
    loss = -(A + r1 * Agt) + logZ * (B + r1 * Bgt)
    out_ref[...] = loss


def _combine_call(sc_parts, tc_parts):
    return pl.pallas_call(
        _combine_body,
        out_shape=jax.ShapeDtypeStruct((), jnp.float32),
        out_specs=pl.BlockSpec(memory_space=pltpu.SMEM),
    )(sc_parts, tc_parts)


@functools.lru_cache(maxsize=None)
def _sc_partials():
    return _make_sc_partials(_SC_N, 8192)


def kernel(pred, target):
    sc = _sc_partials()(pred, target)
    tc = _tc_partials(pred, target)
    return _combine_call(sc, tc)

# --- scband reference (transcript-rebuilt; emitter-appended) ---
"""Pipeline reference for scband-ghmloss-4818953306440 (READ-ONLY COPY).

The authoritative reference and input builder live on the scoring server;
editing this copy changes nothing except your own understanding.
"""

import jax, jax.numpy as jnp
import numpy as np

BINS = 10
MOMENTUM = 0.5
N = 8388608


def _ghm_loss(pred, target):
    bins = BINS
    momentum = MOMENTUM
    edges = jnp.linspace(0.0, 1.0, bins + 1)
    edges = edges.at[-1].add(1e-6)
    acc_sum = jnp.zeros(bins + 1, dtype=jnp.float32)  # buffer, never updated persistently
    pred_d = jax.lax.stop_gradient(pred)
    g = jnp.abs(jax.nn.sigmoid(pred_d) - target)
    valid = jnp.isfinite(g) & jnp.isfinite(target)
    # inputs are all finite, so the boolean mask is all-True (required for the
    # original torch code to be shape-consistent anyway)
    g_v = jnp.where(valid, jax.lax.stop_gradient(g), 0.0)
    total_samples = jnp.sum(valid).astype(jnp.float32)
    # torch.bucketize(right=False) == searchsorted side='left'
    inds = jnp.searchsorted(edges, g_v, side='left')
    # route invalid entries to an overflow bin and drop it (no-op when all valid)
    inds_masked = jnp.where(valid, inds, bins + 1)
    sample_in_bin = jnp.bincount(inds_masked, length=bins + 2)[: bins + 1]
    acc = momentum * acc_sum + (1.0 - momentum) * sample_in_bin.astype(jnp.float32)
    total_positives = jnp.sum(acc)
    total_negatives = total_samples - total_positives
    total_positives = jnp.maximum(total_positives, 1.0)
    ratio = total_negatives / total_positives
    weights = jnp.where(target > pred_d, ratio, 1.0)
    # F.cross_entropy with unbatched pred [C] and float target [C] (soft labels)
    # and per-class weight [C], reduction='mean' over the (singleton) batch:
    logp = jax.nn.log_softmax(pred)
    loss = -jnp.sum(weights * target * logp)
    return loss


def setup_inputs(seed: int = 0) -> dict:
    key = jax.random.key(seed)
    k1, k2 = jax.random.split(key)
    pred = jax.random.normal(k1, (N,), dtype=jnp.float32)
    target = jax.random.uniform(k2, (N,), dtype=jnp.float32)
    return {"pred": pred, "target": target}


def reference(pred, target):
    return _ghm_loss(pred, target)

if __name__ == "__main__":
    import jax
    _d = setup_inputs()
    print(jax.jit(kernel)(*tuple(_d.values())))

</pallas_src>

<mosaic_0001>
#map = affine_map<(d0, d1) -> (0)>
#map1 = affine_map<(d0, d1) -> (0, 0, 0)>
module attributes {stable_mosaic.version = 14 : i64} {
  func.func @body(%arg0: i32, %arg1: i32, %arg2: memref<8388608xf32, #tpu.memory_space<hbm>>, %arg3: memref<8388608xf32, #tpu.memory_space<hbm>>, %arg4: memref<32x8x16xf32, #tpu.memory_space<hbm>>, %arg5: memref<8192xf32, #tpu.memory_space<vmem>>, %arg6: memref<8192xf32, #tpu.memory_space<vmem>>, %arg7: memref<8192xf32, #tpu.memory_space<vmem>>, %arg8: memref<8192xf32, #tpu.memory_space<vmem>>, %arg9: memref<8x16xf32, #tpu.memory_space<vmem>>, %arg10: memref<!tpu.dma_semaphore, #tpu.memory_space<semaphore_mem>>, %arg11: memref<!tpu.dma_semaphore, #tpu.memory_space<semaphore_mem>>) attributes {dimension_semantics = [#tpu.dimension_semantics<core_parallel>, #tpu.dimension_semantics<subcore_parallel>], iteration_bounds = array<i64: 2, 16>, scalar_prefetch = 0 : i64, scratch_operands = 7 : i64, tpu.core_type = #tpu.core_type<sc_vector_subcore>, window_params = [{transform_indices = #map}, {transform_indices = #map}, {transform_indices = #map1}]} {
    %mul3A = arith.constant 2 : i32
    %mul3A_0 = arith.muli %arg1, %mul3A : i32
    %add3A = arith.addi %mul3A_0, %arg0 : i32
    %mul3A_1 = arith.constant 81920 : i32
    %mul3A_2 = arith.muli %add3A, %mul3A_1 : i32
    %broadcast_in_dim3A = arith.constant 0.000000e+00 : f32
    %broadcast_in_dim3A_3 = vector.broadcast %broadcast_in_dim3A : f32 to vector<16xf32>
    %broadcast_in_dim3A_4 = arith.constant 1.000000e+00 : f32
    %broadcast_in_dim3A_5 = vector.broadcast %broadcast_in_dim3A_4 : f32 to vector<16xf32>
    %broadcast_in_dim3A_6 = arith.constant -1.000000e+30 : f32
    %broadcast_in_dim3A_7 = vector.broadcast %broadcast_in_dim3A_6 : f32 to vector<16xf32>
    %add3A_8 = arith.constant 0 : i32
    %add3A_9 = arith.addi %mul3A_2, %add3A_8 : i32
    %dma_start3A = tpu.memref_slice %arg2[%add3A_9] : memref<8388608xf32, #tpu.memory_space<hbm>> -> memref<8192xf32, #tpu.memory_space<hbm>>
    %dma_start3A_10 = tpu.memref_slice %arg2[%add3A_9] : memref<8388608xf32, #tpu.memory_space<hbm>> -> memref<8192xf32, #tpu.memory_space<hbm>>
    tpu.enqueue_dma source(%dma_start3A_10 : memref<8192xf32, #tpu.memory_space<hbm>>) target(%arg5 : memref<8192xf32, #tpu.memory_space<vmem>>) target_semaphore(%arg10 : memref<!tpu.dma_semaphore, #tpu.memory_space<semaphore_mem>>)
    %dma_start3A_11 = tpu.memref_slice %arg3[%add3A_9] : memref<8388608xf32, #tpu.memory_space<hbm>> -> memref<8192xf32, #tpu.memory_space<hbm>>
    %dma_start3A_12 = tpu.memref_slice %arg3[%add3A_9] : memref<8388608xf32, #tpu.memory_space<hbm>> -> memref<8192xf32, #tpu.memory_space<hbm>>
    tpu.enqueue_dma source(%dma_start3A_12 : memref<8192xf32, #tpu.memory_space<hbm>>) target(%arg6 : memref<8192xf32, #tpu.memory_space<vmem>>) target_semaphore(%arg10 : memref<!tpu.dma_semaphore, #tpu.memory_space<semaphore_mem>>)
    %scan3A = arith.constant 0 : i32
    %scan3A_13 = arith.constant 5 : i32
    %scan3A_14 = arith.addi %scan3A, %scan3A_13 : i32
    %scan3A_15 = arith.constant 1 : i32
    %scan3A_16:7 = scf.for %scan3A_65 = %scan3A to %scan3A_14 step %scan3A_15 iter_args(%scan3A_66 = %broadcast_in_dim3A_7, %scan3A_67 = %broadcast_in_dim3A_3, %scan3A_68 = %broadcast_in_dim3A_3, %scan3A_69 = %broadcast_in_dim3A_3, %scan3A_70 = %broadcast_in_dim3A_3, %scan3A_71 = %broadcast_in_dim3A_3, %scan3A_72 = %broadcast_in_dim3A_3) -> (vector<16xf32>, vector<16xf32>, vector<16xf32>, vector<16xf32>, vector<16xf32>, vector<16xf32>, vector<16xf32>)  : i32 {
      %mul3A_73 = arith.constant 2 : i32
      %mul3A_74 = arith.muli %mul3A_73, %scan3A_65 : i32
      %add3A_75 = arith.constant 1 : i32
      %add3A_76 = arith.addi %mul3A_74, %add3A_75 : i32
      %mul3A_77 = arith.constant 8192 : i32
      %mul3A_78 = arith.muli %add3A_76, %mul3A_77 : i32
      %add3A_79 = arith.addi %mul3A_2, %mul3A_78 : i32
      %dma_start3A_80 = tpu.memref_slice %arg2[%add3A_79] : memref<8388608xf32, #tpu.memory_space<hbm>> -> memref<8192xf32, #tpu.memory_space<hbm>>
      %dma_start3A_81 = tpu.memref_slice %arg2[%add3A_79] : memref<8388608xf32, #tpu.memory_space<hbm>> -> memref<8192xf32, #tpu.memory_space<hbm>>
      tpu.enqueue_dma source(%dma_start3A_81 : memref<8192xf32, #tpu.memory_space<hbm>>) target(%arg7 : memref<8192xf32, #tpu.memory_space<vmem>>) target_semaphore(%arg11 : memref<!tpu.dma_semaphore, #tpu.memory_space<semaphore_mem>>)
      %dma_start3A_82 = tpu.memref_slice %arg3[%add3A_79] : memref<8388608xf32, #tpu.memory_space<hbm>> -> memref<8192xf32, #tpu.memory_space<hbm>>
      %dma_start3A_83 = tpu.memref_slice %arg3[%add3A_79] : memref<8388608xf32, #tpu.memory_space<hbm>> -> memref<8192xf32, #tpu.memory_space<hbm>>
      tpu.enqueue_dma source(%dma_start3A_83 : memref<8192xf32, #tpu.memory_space<hbm>>) target(%arg8 : memref<8192xf32, #tpu.memory_space<vmem>>) target_semaphore(%arg11 : memref<!tpu.dma_semaphore, #tpu.memory_space<semaphore_mem>>)
      %mul3A_84 = arith.constant 8192 : i32
      %mul3A_85 = arith.muli %mul3A_74, %mul3A_84 : i32
      %add3A_86 = arith.addi %mul3A_2, %mul3A_85 : i32
      %dma_wait3A = tpu.memref_slice %arg2[%add3A_86] : memref<8388608xf32, #tpu.memory_space<hbm>> -> memref<8192xf32, #tpu.memory_space<hbm>>
      %dma_wait3A_87 = tpu.memref_slice %arg2[%add3A_86] : memref<8388608xf32, #tpu.memory_space<hbm>> -> memref<8192xf32, #tpu.memory_space<hbm>>
      tpu.wait_dma2 semaphore(%arg10 : memref<!tpu.dma_semaphore, #tpu.memory_space<semaphore_mem>>) src(%dma_wait3A_87 : memref<8192xf32, #tpu.memory_space<hbm>>) dst(%arg5 : memref<8192xf32, #tpu.memory_space<vmem>>)
      %dma_wait3A_88 = tpu.memref_slice %arg3[%add3A_86] : memref<8388608xf32, #tpu.memory_space<hbm>> -> memref<8192xf32, #tpu.memory_space<hbm>>
      %dma_wait3A_89 = tpu.memref_slice %arg3[%add3A_86] : memref<8388608xf32, #tpu.memory_space<hbm>> -> memref<8192xf32, #tpu.memory_space<hbm>>
      tpu.wait_dma2 semaphore(%arg10 : memref<!tpu.dma_semaphore, #tpu.memory_space<semaphore_mem>>) src(%dma_wait3A_89 : memref<8192xf32, #tpu.memory_space<hbm>>) dst(%arg6 : memref<8192xf32, #tpu.memory_space<vmem>>)
      %scan3A_90 = arith.constant 0 : i32
      %scan3A_91 = arith.constant 512 : i32
      %scan3A_92 = arith.addi %scan3A_90, %scan3A_91 : i32
      %scan3A_93 = arith.constant 4 : i32
      %scan3A_94:6 = scf.for %scan3A_132 = %scan3A_90 to %scan3A_92 step %scan3A_93 iter_args(%scan3A_133 = %broadcast_in_dim3A_7, %scan3A_134 = %scan3A_68, %scan3A_135 = %scan3A_69, %scan3A_136 = %scan3A_70, %scan3A_137 = %scan3A_71, %scan3A_138 = %scan3A_72) -> (vector<16xf32>, vector<16xf32>, vector<16xf32>, vector<16xf32>, vector<16xf32>, vector<16xf32>)  : i32 {
        %mul3A_139 = arith.constant 16 : i32
        %mul3A_140 = arith.muli %scan3A_132, %mul3A_139 : i32
        %get3A = arith.index_cast %mul3A_140 : i32 to index
        %get3A_141 = tpu.vector_load %arg5[%get3A] {strides = array<i32>} : memref<8192xf32, #tpu.memory_space<vmem>>, vector<16xf32>,
        %get3A_142 = vector.shape_cast %get3A_141 : vector<16xf32> to vector<16xf32>
        %mul3A_143 = arith.constant 16 : i32
        %mul3A_144 = arith.muli %scan3A_132, %mul3A_143 : i32
        %get3A_145 = arith.index_cast %mul3A_144 : i32 to index
        %get3A_146 = tpu.vector_load %arg6[%get3A_145] {strides = array<i32>} : memref<8192xf32, #tpu.memory_space<vmem>>, vector<16xf32>,
        %get3A_147 = vector.shape_cast %get3A_146 : vector<16xf32> to vector<16xf32>
        %max3A_148 = arith.maximumf %scan3A_133, %get3A_142 : vector<16xf32>
        %mul3A_149 = arith.mulf %get3A_147, %get3A_142 : vector<16xf32>
        %add3A_150 = arith.addf %scan3A_134, %get3A_147 : vector<16xf32>
        %add3A_151 = arith.addf %scan3A_135, %mul3A_149 : vector<16xf32>
        %gt3A = arith.cmpf ogt, %get3A_147, %get3A_142 : vector<16xf32>
        %select_n3A = arith.select %gt3A, %get3A_147, %broadcast_in_dim3A_3 : vector<16xi1>, vector<16xf32>
        %add3A_152 = arith.addf %scan3A_136, %select_n3A : vector<16xf32>
        %select_n3A_153 = arith.select %gt3A, %mul3A_149, %broadcast_in_dim3A_3 : vector<16xi1>, vector<16xf32>
        %add3A_154 = arith.addf %scan3A_137, %select_n3A_153 : vector<16xf32>
        %neg3A = arith.constant 0.000000e+00 : f32
        %neg3A_155 = vector.broadcast %neg3A : f32 to vector<16xf32>
        %neg3A_156 = arith.subf %neg3A_155, %get3A_142 : vector<16xf32>
        %exp3A_157 = math.exp %neg3A_156 : vector<16xf32>
        %add3A_158 = arith.constant 1.000000e+00 : f32
        %add3A_159 = vector.broadcast %add3A_158 : f32 to vector<16xf32>
        %add3A_160 = arith.addf %add3A_159, %exp3A_157 : vector<16xf32>
        %div3A = arith.constant 1.000000e+00 : f32
        %div3A_161 = vector.broadcast %div3A : f32 to vector<16xf32>
        %div3A_162 = arith.divf %div3A_161, %add3A_160 : vector<16xf32>
        %sub3A_163 = arith.subf %div3A_162, %get3A_147 : vector<16xf32>
        %abs3A = math.absf %sub3A_163 : vector<16xf32>
        %le3A = arith.constant 1.00000095 : f32
        %le3A_164 = vector.broadcast %le3A : f32 to vector<16xf32>
        %le3A_165 = arith.cmpf ole, %abs3A, %le3A_164 : vector<16xf32>
        %select_n3A_166 = arith.select %le3A_165, %broadcast_in_dim3A_5, %broadcast_in_dim3A_3 : vector<16xi1>, vector<16xf32>
        %add3A_167 = arith.addf %scan3A_138, %select_n3A_166 : vector<16xf32>
        %scan3A_168 = arith.constant 1 : i32
        %scan3A_169 = arith.addi %scan3A_132, %scan3A_168 : i32
        %mul3A_170 = arith.constant 16 : i32
        %mul3A_171 = arith.muli %scan3A_169, %mul3A_170 : i32
        %get3A_172 = arith.index_cast %mul3A_171 : i32 to index
        %get3A_173 = tpu.vector_load %arg5[%get3A_172] {strides = array<i32>} : memref<8192xf32, #tpu.memory_space<vmem>>, vector<16xf32>,
        %get3A_174 = vector.shape_cast %get3A_173 : vector<16xf32> to vector<16xf32>
        %mul3A_175 = arith.constant 16 : i32
        %mul3A_176 = arith.muli %scan3A_169, %mul3A_175 : i32
        %get3A_177 = arith.index_cast %mul3A_176 : i32 to index
        %get3A_178 = tpu.vector_load %arg6[%get3A_177] {strides = array<i32>} : memref<8192xf32, #tpu.memory_space<vmem>>, vector<16xf32>,
        %get3A_179 = vector.shape_cast %get3A_178 : vector<16xf32> to vector<16xf32>
        %max3A_180 = arith.maximumf %max3A_148, %get3A_174 : vector<16xf32>
        %mul3A_181 = arith.mulf %get3A_179, %get3A_174 : vector<16xf32>
        %add3A_182 = arith.addf %add3A_150, %get3A_179 : vector<16xf32>
        %add3A_183 = arith.addf %add3A_151, %mul3A_181 : vector<16xf32>
        %gt3A_184 = arith.cmpf ogt, %get3A_179, %get3A_174 : vector<16xf32>
        %select_n3A_185 = arith.select %gt3A_184, %get3A_179, %broadcast_in_dim3A_3 : vector<16xi1>, vector<16xf32>
        %add3A_186 = arith.addf %add3A_152, %select_n3A_185 : vector<16xf32>
        %select_n3A_187 = arith.select %gt3A_184, %mul3A_181, %broadcast_in_dim3A_3 : vector<16xi1>, vector<16xf32>
        %add3A_188 = arith.addf %add3A_154, %select_n3A_187 : vector<16xf32>
        %neg3A_189 = arith.constant 0.000000e+00 : f32
        %neg3A_190 = vector.broadcast %neg3A_189 : f32 to vector<16xf32>
        %neg3A_191 = arith.subf %neg3A_190, %get3A_174 : vector<16xf32>
        %exp3A_192 = math.exp %neg3A_191 : vector<16xf32>
        %add3A_193 = arith.constant 1.000000e+00 : f32
        %add3A_194 = vector.broadcast %add3A_193 : f32 to vector<16xf32>
        %add3A_195 = arith.addf %add3A_194, %exp3A_192 : vector<16xf32>
        %div3A_196 = arith.constant 1.000000e+00 : f32
        %div3A_197 = vector.broadcast %div3A_196 : f32 to vector<16xf32>
        %div3A_198 = arith.divf %div3A_197, %add3A_195 : vector<16xf32>
        %sub3A_199 = arith.subf %div3A_198, %get3A_179 : vector<16xf32>
        %abs3A_200 = math.absf %sub3A_199 : vector<16xf32>
        %le3A_201 = arith.constant 1.00000095 : f32
        %le3A_202 = vector.broadcast %le3A_201 : f32 to vector<16xf32>
        %le3A_203 = arith.cmpf ole, %abs3A_200, %le3A_202 : vector<16xf32>
        %select_n3A_204 = arith.select %le3A_203, %broadcast_in_dim3A_5, %broadcast_in_dim3A_3 : vector<16xi1>, vector<16xf32>
        %add3A_205 = arith.addf %add3A_167, %select_n3A_204 : vector<16xf32>
        %scan3A_206 = arith.constant 2 : i32
        %scan3A_207 = arith.addi %scan3A_132, %scan3A_206 : i32
        %mul3A_208 = arith.constant 16 : i32
        %mul3A_209 = arith.muli %scan3A_207, %mul3A_208 : i32
        %get3A_210 = arith.index_cast %mul3A_209 : i32 to index
        %get3A_211 = tpu.vector_load %arg5[%get3A_210] {strides = array<i32>} : memref<8192xf32, #tpu.memory_space<vmem>>, vector<16xf32>,
        %get3A_212 = vector.shape_cast %get3A_211 : vector<16xf32> to vector<16xf32>
        %mul3A_213 = arith.constant 16 : i32
        %mul3A_214 = arith.muli %scan3A_207, %mul3A_213 : i32
        %get3A_215 = arith.index_cast %mul3A_214 : i32 to index
        %get3A_216 = tpu.vector_load %arg6[%get3A_215] {strides = array<i32>} : memref<8192xf32, #tpu.memory_space<vmem>>, vector<16xf32>,
        %get3A_217 = vector.shape_cast %get3A_216 : vector<16xf32> to vector<16xf32>
        %max3A_218 = arith.maximumf %max3A_180, %get3A_212 : vector<16xf32>
        %mul3A_219 = arith.mulf %get3A_217, %get3A_212 : vector<16xf32>
        %add3A_220 = arith.addf %add3A_182, %get3A_217 : vector<16xf32>
        %add3A_221 = arith.addf %add3A_183, %mul3A_219 : vector<16xf32>
        %gt3A_222 = arith.cmpf ogt, %get3A_217, %get3A_212 : vector<16xf32>
        %select_n3A_223 = arith.select %gt3A_222, %get3A_217, %broadcast_in_dim3A_3 : vector<16xi1>, vector<16xf32>
        %add3A_224 = arith.addf %add3A_186, %select_n3A_223 : vector<16xf32>
        %select_n3A_225 = arith.select %gt3A_222, %mul3A_219, %broadcast_in_dim3A_3 : vector<16xi1>, vector<16xf32>
        %add3A_226 = arith.addf %add3A_188, %select_n3A_225 : vector<16xf32>
        %neg3A_227 = arith.constant 0.000000e+00 : f32
        %neg3A_228 = vector.broadcast %neg3A_227 : f32 to vector<16xf32>
        %neg3A_229 = arith.subf %neg3A_228, %get3A_212 : vector<16xf32>
        %exp3A_230 = math.exp %neg3A_229 : vector<16xf32>
        %add3A_231 = arith.constant 1.000000e+00 : f32
        %add3A_232 = vector.broadcast %add3A_231 : f32 to vector<16xf32>
        %add3A_233 = arith.addf %add3A_232, %exp3A_230 : vector<16xf32>
        %div3A_234 = arith.constant 1.000000e+00 : f32
        %div3A_235 = vector.broadcast %div3A_234 : f32 to vector<16xf32>
        %div3A_236 = arith.divf %div3A_235, %add3A_233 : vector<16xf32>
        %sub3A_237 = arith.subf %div3A_236, %get3A_217 : vector<16xf32>
        %abs3A_238 = math.absf %sub3A_237 : vector<16xf32>
        %le3A_239 = arith.constant 1.00000095 : f32
        %le3A_240 = vector.broadcast %le3A_239 : f32 to vector<16xf32>
        %le3A_241 = arith.cmpf ole, %abs3A_238, %le3A_240 : vector<16xf32>
        %select_n3A_242 = arith.select %le3A_241, %broadcast_in_dim3A_5, %broadcast_in_dim3A_3 : vector<16xi1>, vector<16xf32>
        %add3A_243 = arith.addf %add3A_205, %select_n3A_242 : vector<16xf32>
        %scan3A_244 = arith.constant 3 : i32
        %scan3A_245 = arith.addi %scan3A_132, %scan3A_244 : i32
        %mul3A_246 = arith.constant 16 : i32
        %mul3A_247 = arith.muli %scan3A_245, %mul3A_246 : i32
        %get3A_248 = arith.index_cast %mul3A_247 : i32 to index
        %get3A_249 = tpu.vector_load %arg5[%get3A_248] {strides = array<i32>} : memref<8192xf32, #tpu.memory_space<vmem>>, vector<16xf32>,
        %get3A_250 = vector.shape_cast %get3A_249 : vector<16xf32> to vector<16xf32>
        %mul3A_251 = arith.constant 16 : i32
        %mul3A_252 = arith.muli %scan3A_245, %mul3A_251 : i32
        %get3A_253 = arith.index_cast %mul3A_252 : i32 to index
        %get3A_254 = tpu.vector_load %arg6[%get3A_253] {strides = array<i32>} : memref<8192xf32, #tpu.memory_space<vmem>>, vector<16xf32>,
        %get3A_255 = vector.shape_cast %get3A_254 : vector<16xf32> to vector<16xf32>
        %max3A_256 = arith.maximumf %max3A_218, %get3A_250 : vector<16xf32>
        %mul3A_257 = arith.mulf %get3A_255, %get3A_250 : vector<16xf32>
        %add3A_258 = arith.addf %add3A_220, %get3A_255 : vector<16xf32>
        %add3A_259 = arith.addf %add3A_221, %mul3A_257 : vector<16xf32>
        %gt3A_260 = arith.cmpf ogt, %get3A_255, %get3A_250 : vector<16xf32>
        %select_n3A_261 = arith.select %gt3A_260, %get3A_255, %broadcast_in_dim3A_3 : vector<16xi1>, vector<16xf32>
        %add3A_262 = arith.addf %add3A_224, %select_n3A_261 : vector<16xf32>
        %select_n3A_263 = arith.select %gt3A_260, %mul3A_257, %broadcast_in_dim3A_3 : vector<16xi1>, vector<16xf32>
        %add3A_264 = arith.addf %add3A_226, %select_n3A_263 : vector<16xf32>
        %neg3A_265 = arith.constant 0.000000e+00 : f32
        %neg3A_266 = vector.broadcast %neg3A_265 : f32 to vector<16xf32>
        %neg3A_267 = arith.subf %neg3A_266, %get3A_250 : vector<16xf32>
        %exp3A_268 = math.exp %neg3A_267 : vector<16xf32>
        %add3A_269 = arith.constant 1.000000e+00 : f32
        %add3A_270 = vector.broadcast %add3A_269 : f32 to vector<16xf32>
        %add3A_271 = arith.addf %add3A_270, %exp3A_268 : vector<16xf32>
        %div3A_272 = arith.constant 1.000000e+00 : f32
        %div3A_273 = vector.broadcast %div3A_272 : f32 to vector<16xf32>
        %div3A_274 = arith.divf %div3A_273, %add3A_271 : vector<16xf32>
        %sub3A_275 = arith.subf %div3A_274, %get3A_255 : vector<16xf32>
        %abs3A_276 = math.absf %sub3A_275 : vector<16xf32>
        %le3A_277 = arith.constant 1.00000095 : f32
        %le3A_278 = vector.broadcast %le3A_277 : f32 to vector<16xf32>
        %le3A_279 = arith.cmpf ole, %abs3A_276, %le3A_278 : vector<16xf32>
        %select_n3A_280 = arith.select %le3A_279, %broadcast_in_dim3A_5, %broadcast_in_dim3A_3 : vector<16xi1>, vector<16xf32>
        %add3A_281 = arith.addf %add3A_243, %select_n3A_280 : vector<16xf32>
        scf.yield %max3A_256, %add3A_258, %add3A_259, %add3A_262, %add3A_264, %add3A_281 : vector<16xf32>, vector<16xf32>, vector<16xf32>, vector<16xf32>, vector<16xf32>, vector<16xf32>
      }
      %scan3A_95 = arith.constant 512 : i32
      %max3A = arith.maximumf %scan3A_66, %scan3A_94#0 : vector<16xf32>
      %sub3A = arith.subf %scan3A_66, %max3A : vector<16xf32>
      %exp3A = math.exp %sub3A : vector<16xf32>
      %mul3A_96 = arith.mulf %scan3A_67, %exp3A : vector<16xf32>
      %scan3A_97 = arith.constant 0 : i32
      %scan3A_98 = arith.constant 512 : i32
      %scan3A_99 = arith.addi %scan3A_97, %scan3A_98 : i32
      %scan3A_100 = arith.constant 4 : i32
      %scan3A_101 = scf.for %scan3A_132 = %scan3A_97 to %scan3A_99 step %scan3A_100 iter_args(%scan3A_133 = %mul3A_96) -> (vector<16xf32>)  : i32 {
        %mul3A_134 = arith.constant 16 : i32
        %mul3A_135 = arith.muli %scan3A_132, %mul3A_134 : i32
        %get3A = arith.index_cast %mul3A_135 : i32 to index
        %get3A_136 = tpu.vector_load %arg5[%get3A] {strides = array<i32>} : memref<8192xf32, #tpu.memory_space<vmem>>, vector<16xf32>,
        %get3A_137 = vector.shape_cast %get3A_136 : vector<16xf32> to vector<16xf32>
        %sub3A_138 = arith.subf %get3A_137, %max3A : vector<16xf32>
        %exp3A_139 = math.exp %sub3A_138 : vector<16xf32>
        %add3A_140 = arith.addf %scan3A_133, %exp3A_139 : vector<16xf32>
        %scan3A_141 = arith.constant 1 : i32
        %scan3A_142 = arith.addi %scan3A_132, %scan3A_141 : i32
        %mul3A_143 = arith.constant 16 : i32
        %mul3A_144 = arith.muli %scan3A_142, %mul3A_143 : i32
        %get3A_145 = arith.index_cast %mul3A_144 : i32 to index
        %get3A_146 = tpu.vector_load %arg5[%get3A_145] {strides = array<i32>} : memref<8192xf32, #tpu.memory_space<vmem>>, vector<16xf32>,
        %get3A_147 = vector.shape_cast %get3A_146 : vector<16xf32> to vector<16xf32>
        %sub3A_148 = arith.subf %get3A_147, %max3A : vector<16xf32>
        %exp3A_149 = math.exp %sub3A_148 : vector<16xf32>
        %add3A_150 = arith.addf %add3A_140, %exp3A_149 : vector<16xf32>
        %scan3A_151 = arith.constant 2 : i32
        %scan3A_152 = arith.addi %scan3A_132, %scan3A_151 : i32
        %mul3A_153 = arith.constant 16 : i32
        %mul3A_154 = arith.muli %scan3A_152, %mul3A_153 : i32
        %get3A_155 = arith.index_cast %mul3A_154 : i32 to index
        %get3A_156 = tpu.vector_load %arg5[%get3A_155] {strides = array<i32>} : memref<8192xf32, #tpu.memory_space<vmem>>, vector<16xf32>,
        %get3A_157 = vector.shape_cast %get3A_156 : vector<16xf32> to vector<16xf32>
        %sub3A_158 = arith.subf %get3A_157, %max3A : vector<16xf32>
        %exp3A_159 = math.exp %sub3A_158 : vector<16xf32>
        %add3A_160 = arith.addf %add3A_150, %exp3A_159 : vector<16xf32>
        %scan3A_161 = arith.constant 3 : i32
        %scan3A_162 = arith.addi %scan3A_132, %scan3A_161 : i32
        %mul3A_163 = arith.constant 16 : i32
        %mul3A_164 = arith.muli %scan3A_162, %mul3A_163 : i32
        %get3A_165 = arith.index_cast %mul3A_164 : i32 to index
        %get3A_166 = tpu.vector_load %arg5[%get3A_165] {strides = array<i32>} : memref<8192xf32, #tpu.memory_space<vmem>>, vector<16xf32>,
        %get3A_167 = vector.shape_cast %get3A_166 : vector<16xf32> to vector<16xf32>
        %sub3A_168 = arith.subf %get3A_167, %max3A : vector<16xf32>
        %exp3A_169 = math.exp %sub3A_168 : vector<16xf32>
        %add3A_170 = arith.addf %add3A_160, %exp3A_169 : vector<16xf32>
        scf.yield %add3A_170 : vector<16xf32>
      }
      %scan3A_102 = arith.constant 512 : i32
      %add3A_103 = arith.constant 2 : i32
      %add3A_104 = arith.addi %mul3A_74, %add3A_103 : i32
      %lt3A = arith.constant 10 : i32
      %lt3A_105 = arith.cmpi slt, %add3A_104, %lt3A : i32
      %convert_element_type3A = arith.extui %lt3A_105 : i1 to i32
      %cond3A = arith.constant 0 : i32
      %cond3A_106 = arith.cmpi ne, %convert_element_type3A, %cond3A : i32
      scf.if %cond3A_106 {
        %add3A_132 = arith.constant 2 : i32
        %add3A_133 = arith.addi %mul3A_74, %add3A_132 : i32
        %mul3A_134 = arith.constant 8192 : i32
        %mul3A_135 = arith.muli %add3A_133, %mul3A_134 : i32
        %add3A_136 = arith.addi %mul3A_2, %mul3A_135 : i32
        %dma_start3A_137 = tpu.memref_slice %arg2[%add3A_136] : memref<8388608xf32, #tpu.memory_space<hbm>> -> memref<8192xf32, #tpu.memory_space<hbm>>
        %dma_start3A_138 = tpu.memref_slice %arg2[%add3A_136] : memref<8388608xf32, #tpu.memory_space<hbm>> -> memref<8192xf32, #tpu.memory_space<hbm>>
        tpu.enqueue_dma source(%dma_start3A_138 : memref<8192xf32, #tpu.memory_space<hbm>>) target(%arg5 : memref<8192xf32, #tpu.memory_space<vmem>>) target_semaphore(%arg10 : memref<!tpu.dma_semaphore, #tpu.memory_space<semaphore_mem>>)
        %dma_start3A_139 = tpu.memref_slice %arg3[%add3A_136] : memref<8388608xf32, #tpu.memory_space<hbm>> -> memref<8192xf32, #tpu.memory_space<hbm>>
        %dma_start3A_140 = tpu.memref_slice %arg3[%add3A_136] : memref<8388608xf32, #tpu.memory_space<hbm>> -> memref<8192xf32, #tpu.memory_space<hbm>>
        tpu.enqueue_dma source(%dma_start3A_140 : memref<8192xf32, #tpu.memory_space<hbm>>) target(%arg6 : memref<8192xf32, #tpu.memory_space<vmem>>) target_semaphore(%arg10 : memref<!tpu.dma_semaphore, #tpu.memory_space<semaphore_mem>>)
      } else {
      }
      %add3A_107 = arith.constant 1 : i32
      %add3A_108 = arith.addi %mul3A_74, %add3A_107 : i32
      %mul3A_109 = arith.constant 8192 : i32
      %mul3A_110 = arith.muli %add3A_108, %mul3A_109 : i32
      %add3A_111 = arith.addi %mul3A_2, %mul3A_110 : i32
      %dma_wait3A_112 = tpu.memref_slice %arg2[%add3A_111] : memref<8388608xf32, #tpu.memory_space<hbm>> -> memref<8192xf32, #tpu.memory_space<hbm>>
      %dma_wait3A_113 = tpu.memref_slice %arg2[%add3A_111] : memref<8388608xf32, #tpu.memory_space<hbm>> -> memref<8192xf32, #tpu.memory_space<hbm>>
      tpu.wait_dma2 semaphore(%arg11 : memref<!tpu.dma_semaphore, #tpu.memory_space<semaphore_mem>>) src(%dma_wait3A_113 : memref<8192xf32, #tpu.memory_space<hbm>>) dst(%arg7 : memref<8192xf32, #tpu.memory_space<vmem>>)
      %dma_wait3A_114 = tpu.memref_slice %arg3[%add3A_111] : memref<8388608xf32, #tpu.memory_space<hbm>> -> memref<8192xf32, #tpu.memory_space<hbm>>
      %dma_wait3A_115 = tpu.memref_slice %arg3[%add3A_111] : memref<8388608xf32, #tpu.memory_space<hbm>> -> memref<8192xf32, #tpu.memory_space<hbm>>
      tpu.wait_dma2 semaphore(%arg11 : memref<!tpu.dma_semaphore, #tpu.memory_space<semaphore_mem>>) src(%dma_wait3A_115 : memref<8192xf32, #tpu.memory_space<hbm>>) dst(%arg8 : memref<8192xf32, #tpu.memory_space<vmem>>)
      %scan3A_116 = arith.constant 0 : i32
      %scan3A_117 = arith.constant 512 : i32
      %scan3A_118 = arith.addi %scan3A_116, %scan3A_117 : i32
      %scan3A_119 = arith.constant 4 : i32
      %scan3A_120:6 = scf.for %scan3A_132 = %scan3A_116 to %scan3A_118 step %scan3A_119 iter_args(%scan3A_133 = %broadcast_in_dim3A_7, %scan3A_134 = %scan3A_94#1, %scan3A_135 = %scan3A_94#2, %scan3A_136 = %scan3A_94#3, %scan3A_137 = %scan3A_94#4, %scan3A_138 = %scan3A_94#5) -> (vector<16xf32>, vector<16xf32>, vector<16xf32>, vector<16xf32>, vector<16xf32>, vector<16xf32>)  : i32 {
        %mul3A_139 = arith.constant 16 : i32
        %mul3A_140 = arith.muli %scan3A_132, %mul3A_139 : i32
        %get3A = arith.index_cast %mul3A_140 : i32 to index
        %get3A_141 = tpu.vector_load %arg7[%get3A] {strides = array<i32>} : memref<8192xf32, #tpu.memory_space<vmem>>, vector<16xf32>,
        %get3A_142 = vector.shape_cast %get3A_141 : vector<16xf32> to vector<16xf32>
        %mul3A_143 = arith.constant 16 : i32
        %mul3A_144 = arith.muli %scan3A_132, %mul3A_143 : i32
        %get3A_145 = arith.index_cast %mul3A_144 : i32 to index
        %get3A_146 = tpu.vector_load %arg8[%get3A_145] {strides = array<i32>} : memref<8192xf32, #tpu.memory_space<vmem>>, vector<16xf32>,
        %get3A_147 = vector.shape_cast %get3A_146 : vector<16xf32> to vector<16xf32>
        %max3A_148 = arith.maximumf %scan3A_133, %get3A_142 : vector<16xf32>
        %mul3A_149 = arith.mulf %get3A_147, %get3A_142 : vector<16xf32>
        %add3A_150 = arith.addf %scan3A_134, %get3A_147 : vector<16xf32>
        %add3A_151 = arith.addf %scan3A_135, %mul3A_149 : vector<16xf32>
        %gt3A = arith.cmpf ogt, %get3A_147, %get3A_142 : vector<16xf32>
        %select_n3A = arith.select %gt3A, %get3A_147, %broadcast_in_dim3A_3 : vector<16xi1>, vector<16xf32>
        %add3A_152 = arith.addf %scan3A_136, %select_n3A : vector<16xf32>
        %select_n3A_153 = arith.select %gt3A, %mul3A_149, %broadcast_in_dim3A_3 : vector<16xi1>, vector<16xf32>
        %add3A_154 = arith.addf %scan3A_137, %select_n3A_153 : vector<16xf32>
        %neg3A = arith.constant 0.000000e+00 : f32
        %neg3A_155 = vector.broadcast %neg3A : f32 to vector<16xf32>
        %neg3A_156 = arith.subf %neg3A_155, %get3A_142 : vector<16xf32>
        %exp3A_157 = math.exp %neg3A_156 : vector<16xf32>
        %add3A_158 = arith.constant 1.000000e+00 : f32
        %add3A_159 = vector.broadcast %add3A_158 : f32 to vector<16xf32>
        %add3A_160 = arith.addf %add3A_159, %exp3A_157 : vector<16xf32>
        %div3A = arith.constant 1.000000e+00 : f32
        %div3A_161 = vector.broadcast %div3A : f32 to vector<16xf32>
        %div3A_162 = arith.divf %div3A_161, %add3A_160 : vector<16xf32>
        %sub3A_163 = arith.subf %div3A_162, %get3A_147 : vector<16xf32>
        %abs3A = math.absf %sub3A_163 : vector<16xf32>
        %le3A = arith.constant 1.00000095 : f32
        %le3A_164 = vector.broadcast %le3A : f32 to vector<16xf32>
        %le3A_165 = arith.cmpf ole, %abs3A, %le3A_164 : vector<16xf32>
        %select_n3A_166 = arith.select %le3A_165, %broadcast_in_dim3A_5, %broadcast_in_dim3A_3 : vector<16xi1>, vector<16xf32>
        %add3A_167 = arith.addf %scan3A_138, %select_n3A_166 : vector<16xf32>
        %scan3A_168 = arith.constant 1 : i32
        %scan3A_169 = arith.addi %scan3A_132, %scan3A_168 : i32
        %mul3A_170 = arith.constant 16 : i32
        %mul3A_171 = arith.muli %scan3A_169, %mul3A_170 : i32
        %get3A_172 = arith.index_cast %mul3A_171 : i32 to index
        %get3A_173 = tpu.vector_load %arg7[%get3A_172] {strides = array<i32>} : memref<8192xf32, #tpu.memory_space<vmem>>, vector<16xf32>,
        %get3A_174 = vector.shape_cast %get3A_173 : vector<16xf32> to vector<16xf32>
        %mul3A_175 = arith.constant 16 : i32
        %mul3A_176 = arith.muli %scan3A_169, %mul3A_175 : i32
        %get3A_177 = arith.index_cast %mul3A_176 : i32 to index
        %get3A_178 = tpu.vector_load %arg8[%get3A_177] {strides = array<i32>} : memref<8192xf32, #tpu.memory_space<vmem>>, vector<16xf32>,
        %get3A_179 = vector.shape_cast %get3A_178 : vector<16xf32> to vector<16xf32>
        %max3A_180 = arith.maximumf %max3A_148, %get3A_174 : vector<16xf32>
        %mul3A_181 = arith.mulf %get3A_179, %get3A_174 : vector<16xf32>
        %add3A_182 = arith.addf %add3A_150, %get3A_179 : vector<16xf32>
        %add3A_183 = arith.addf %add3A_151, %mul3A_181 : vector<16xf32>
        %gt3A_184 = arith.cmpf ogt, %get3A_179, %get3A_174 : vector<16xf32>
        %select_n3A_185 = arith.select %gt3A_184, %get3A_179, %broadcast_in_dim3A_3 : vector<16xi1>, vector<16xf32>
        %add3A_186 = arith.addf %add3A_152, %select_n3A_185 : vector<16xf32>
        %select_n3A_187 = arith.select %gt3A_184, %mul3A_181, %broadcast_in_dim3A_3 : vector<16xi1>, vector<16xf32>
        %add3A_188 = arith.addf %add3A_154, %select_n3A_187 : vector<16xf32>
        %neg3A_189 = arith.constant 0.000000e+00 : f32
        %neg3A_190 = vector.broadcast %neg3A_189 : f32 to vector<16xf32>
        %neg3A_191 = arith.subf %neg3A_190, %get3A_174 : vector<16xf32>
        %exp3A_192 = math.exp %neg3A_191 : vector<16xf32>
        %add3A_193 = arith.constant 1.000000e+00 : f32
        %add3A_194 = vector.broadcast %add3A_193 : f32 to vector<16xf32>
        %add3A_195 = arith.addf %add3A_194, %exp3A_192 : vector<16xf32>
        %div3A_196 = arith.constant 1.000000e+00 : f32
        %div3A_197 = vector.broadcast %div3A_196 : f32 to vector<16xf32>
        %div3A_198 = arith.divf %div3A_197, %add3A_195 : vector<16xf32>
        %sub3A_199 = arith.subf %div3A_198, %get3A_179 : vector<16xf32>
        %abs3A_200 = math.absf %sub3A_199 : vector<16xf32>
        %le3A_201 = arith.constant 1.00000095 : f32
        %le3A_202 = vector.broadcast %le3A_201 : f32 to vector<16xf32>
        %le3A_203 = arith.cmpf ole, %abs3A_200, %le3A_202 : vector<16xf32>
        %select_n3A_204 = arith.select %le3A_203, %broadcast_in_dim3A_5, %broadcast_in_dim3A_3 : vector<16xi1>, vector<16xf32>
        %add3A_205 = arith.addf %add3A_167, %select_n3A_204 : vector<16xf32>
        %scan3A_206 = arith.constant 2 : i32
        %scan3A_207 = arith.addi %scan3A_132, %scan3A_206 : i32
        %mul3A_208 = arith.constant 16 : i32
        %mul3A_209 = arith.muli %scan3A_207, %mul3A_208 : i32
        %get3A_210 = arith.index_cast %mul3A_209 : i32 to index
        %get3A_211 = tpu.vector_load %arg7[%get3A_210] {strides = array<i32>} : memref<8192xf32, #tpu.memory_space<vmem>>, vector<16xf32>,
        %get3A_212 = vector.shape_cast %get3A_211 : vector<16xf32> to vector<16xf32>
        %mul3A_213 = arith.constant 16 : i32
        %mul3A_214 = arith.muli %scan3A_207, %mul3A_213 : i32
        %get3A_215 = arith.index_cast %mul3A_214 : i32 to index
        %get3A_216 = tpu.vector_load %arg8[%get3A_215] {strides = array<i32>} : memref<8192xf32, #tpu.memory_space<vmem>>, vector<16xf32>,
        %get3A_217 = vector.shape_cast %get3A_216 : vector<16xf32> to vector<16xf32>
        %max3A_218 = arith.maximumf %max3A_180, %get3A_212 : vector<16xf32>
        %mul3A_219 = arith.mulf %get3A_217, %get3A_212 : vector<16xf32>
        %add3A_220 = arith.addf %add3A_182, %get3A_217 : vector<16xf32>
        %add3A_221 = arith.addf %add3A_183, %mul3A_219 : vector<16xf32>
        %gt3A_222 = arith.cmpf ogt, %get3A_217, %get3A_212 : vector<16xf32>
        %select_n3A_223 = arith.select %gt3A_222, %get3A_217, %broadcast_in_dim3A_3 : vector<16xi1>, vector<16xf32>
        %add3A_224 = arith.addf %add3A_186, %select_n3A_223 : vector<16xf32>
        %select_n3A_225 = arith.select %gt3A_222, %mul3A_219, %broadcast_in_dim3A_3 : vector<16xi1>, vector<16xf32>
        %add3A_226 = arith.addf %add3A_188, %select_n3A_225 : vector<16xf32>
        %neg3A_227 = arith.constant 0.000000e+00 : f32
        %neg3A_228 = vector.broadcast %neg3A_227 : f32 to vector<16xf32>
        %neg3A_229 = arith.subf %neg3A_228, %get3A_212 : vector<16xf32>
        %exp3A_230 = math.exp %neg3A_229 : vector<16xf32>
        %add3A_231 = arith.constant 1.000000e+00 : f32
        %add3A_232 = vector.broadcast %add3A_231 : f32 to vector<16xf32>
        %add3A_233 = arith.addf %add3A_232, %exp3A_230 : vector<16xf32>
        %div3A_234 = arith.constant 1.000000e+00 : f32
        %div3A_235 = vector.broadcast %div3A_234 : f32 to vector<16xf32>
        %div3A_236 = arith.divf %div3A_235, %add3A_233 : vector<16xf32>
        %sub3A_237 = arith.subf %div3A_236, %get3A_217 : vector<16xf32>
        %abs3A_238 = math.absf %sub3A_237 : vector<16xf32>
        %le3A_239 = arith.constant 1.00000095 : f32
        %le3A_240 = vector.broadcast %le3A_239 : f32 to vector<16xf32>
        %le3A_241 = arith.cmpf ole, %abs3A_238, %le3A_240 : vector<16xf32>
        %select_n3A_242 = arith.select %le3A_241, %broadcast_in_dim3A_5, %broadcast_in_dim3A_3 : vector<16xi1>, vector<16xf32>
        %add3A_243 = arith.addf %add3A_205, %select_n3A_242 : vector<16xf32>
        %scan3A_244 = arith.constant 3 : i32
        %scan3A_245 = arith.addi %scan3A_132, %scan3A_244 : i32
        %mul3A_246 = arith.constant 16 : i32
        %mul3A_247 = arith.muli %scan3A_245, %mul3A_246 : i32
        %get3A_248 = arith.index_cast %mul3A_247 : i32 to index
        %get3A_249 = tpu.vector_load %arg7[%get3A_248] {strides = array<i32>} : memref<8192xf32, #tpu.memory_space<vmem>>, vector<16xf32>,
        %get3A_250 = vector.shape_cast %get3A_249 : vector<16xf32> to vector<16xf32>
        %mul3A_251 = arith.constant 16 : i32
        %mul3A_252 = arith.muli %scan3A_245, %mul3A_251 : i32
        %get3A_253 = arith.index_cast %mul3A_252 : i32 to index
        %get3A_254 = tpu.vector_load %arg8[%get3A_253] {strides = array<i32>} : memref<8192xf32, #tpu.memory_space<vmem>>, vector<16xf32>,
        %get3A_255 = vector.shape_cast %get3A_254 : vector<16xf32> to vector<16xf32>
        %max3A_256 = arith.maximumf %max3A_218, %get3A_250 : vector<16xf32>
        %mul3A_257 = arith.mulf %get3A_255, %get3A_250 : vector<16xf32>
        %add3A_258 = arith.addf %add3A_220, %get3A_255 : vector<16xf32>
        %add3A_259 = arith.addf %add3A_221, %mul3A_257 : vector<16xf32>
        %gt3A_260 = arith.cmpf ogt, %get3A_255, %get3A_250 : vector<16xf32>
        %select_n3A_261 = arith.select %gt3A_260, %get3A_255, %broadcast_in_dim3A_3 : vector<16xi1>, vector<16xf32>
        %add3A_262 = arith.addf %add3A_224, %select_n3A_261 : vector<16xf32>
        %select_n3A_263 = arith.select %gt3A_260, %mul3A_257, %broadcast_in_dim3A_3 : vector<16xi1>, vector<16xf32>
        %add3A_264 = arith.addf %add3A_226, %select_n3A_263 : vector<16xf32>
        %neg3A_265 = arith.constant 0.000000e+00 : f32
        %neg3A_266 = vector.broadcast %neg3A_265 : f32 to vector<16xf32>
        %neg3A_267 = arith.subf %neg3A_266, %get3A_250 : vector<16xf32>
        %exp3A_268 = math.exp %neg3A_267 : vector<16xf32>
        %add3A_269 = arith.constant 1.000000e+00 : f32
        %add3A_270 = vector.broadcast %add3A_269 : f32 to vector<16xf32>
        %add3A_271 = arith.addf %add3A_270, %exp3A_268 : vector<16xf32>
        %div3A_272 = arith.constant 1.000000e+00 : f32
        %div3A_273 = vector.broadcast %div3A_272 : f32 to vector<16xf32>
        %div3A_274 = arith.divf %div3A_273, %add3A_271 : vector<16xf32>
        %sub3A_275 = arith.subf %div3A_274, %get3A_255 : vector<16xf32>
        %abs3A_276 = math.absf %sub3A_275 : vector<16xf32>
        %le3A_277 = arith.constant 1.00000095 : f32
        %le3A_278 = vector.broadcast %le3A_277 : f32 to vector<16xf32>
        %le3A_279 = arith.cmpf ole, %abs3A_276, %le3A_278 : vector<16xf32>
        %select_n3A_280 = arith.select %le3A_279, %broadcast_in_dim3A_5, %broadcast_in_dim3A_3 : vector<16xi1>, vector<16xf32>
        %add3A_281 = arith.addf %add3A_243, %select_n3A_280 : vector<16xf32>
        scf.yield %max3A_256, %add3A_258, %add3A_259, %add3A_262, %add3A_264, %add3A_281 : vector<16xf32>, vector<16xf32>, vector<16xf32>, vector<16xf32>, vector<16xf32>, vector<16xf32>
      }
      %scan3A_121 = arith.constant 512 : i32
      %max3A_122 = arith.maximumf %max3A, %scan3A_120#0 : vector<16xf32>
      %sub3A_123 = arith.subf %max3A, %max3A_122 : vector<16xf32>
      %exp3A_124 = math.exp %sub3A_123 : vector<16xf32>
      %mul3A_125 = arith.mulf %scan3A_101, %exp3A_124 : vector<16xf32>
      %scan3A_126 = arith.constant 0 : i32
      %scan3A_127 = arith.constant 512 : i32
      %scan3A_128 = arith.addi %scan3A_126, %scan3A_127 : i32
      %scan3A_129 = arith.constant 4 : i32
      %scan3A_130 = scf.for %scan3A_132 = %scan3A_126 to %scan3A_128 step %scan3A_129 iter_args(%scan3A_133 = %mul3A_125) -> (vector<16xf32>)  : i32 {
        %mul3A_134 = arith.constant 16 : i32
        %mul3A_135 = arith.muli %scan3A_132, %mul3A_134 : i32
        %get3A = arith.index_cast %mul3A_135 : i32 to index
        %get3A_136 = tpu.vector_load %arg7[%get3A] {strides = array<i32>} : memref<8192xf32, #tpu.memory_space<vmem>>, vector<16xf32>,
        %get3A_137 = vector.shape_cast %get3A_136 : vector<16xf32> to vector<16xf32>
        %sub3A_138 = arith.subf %get3A_137, %max3A_122 : vector<16xf32>
        %exp3A_139 = math.exp %sub3A_138 : vector<16xf32>
        %add3A_140 = arith.addf %scan3A_133, %exp3A_139 : vector<16xf32>
        %scan3A_141 = arith.constant 1 : i32
        %scan3A_142 = arith.addi %scan3A_132, %scan3A_141 : i32
        %mul3A_143 = arith.constant 16 : i32
        %mul3A_144 = arith.muli %scan3A_142, %mul3A_143 : i32
        %get3A_145 = arith.index_cast %mul3A_144 : i32 to index
        %get3A_146 = tpu.vector_load %arg7[%get3A_145] {strides = array<i32>} : memref<8192xf32, #tpu.memory_space<vmem>>, vector<16xf32>,
        %get3A_147 = vector.shape_cast %get3A_146 : vector<16xf32> to vector<16xf32>
        %sub3A_148 = arith.subf %get3A_147, %max3A_122 : vector<16xf32>
        %exp3A_149 = math.exp %sub3A_148 : vector<16xf32>
        %add3A_150 = arith.addf %add3A_140, %exp3A_149 : vector<16xf32>
        %scan3A_151 = arith.constant 2 : i32
        %scan3A_152 = arith.addi %scan3A_132, %scan3A_151 : i32
        %mul3A_153 = arith.constant 16 : i32
        %mul3A_154 = arith.muli %scan3A_152, %mul3A_153 : i32
        %get3A_155 = arith.index_cast %mul3A_154 : i32 to index
        %get3A_156 = tpu.vector_load %arg7[%get3A_155] {strides = array<i32>} : memref<8192xf32, #tpu.memory_space<vmem>>, vector<16xf32>,
        %get3A_157 = vector.shape_cast %get3A_156 : vector<16xf32> to vector<16xf32>
        %sub3A_158 = arith.subf %get3A_157, %max3A_122 : vector<16xf32>
        %exp3A_159 = math.exp %sub3A_158 : vector<16xf32>
        %add3A_160 = arith.addf %add3A_150, %exp3A_159 : vector<16xf32>
        %scan3A_161 = arith.constant 3 : i32
        %scan3A_162 = arith.addi %scan3A_132, %scan3A_161 : i32
        %mul3A_163 = arith.constant 16 : i32
        %mul3A_164 = arith.muli %scan3A_162, %mul3A_163 : i32
        %get3A_165 = arith.index_cast %mul3A_164 : i32 to index
        %get3A_166 = tpu.vector_load %arg7[%get3A_165] {strides = array<i32>} : memref<8192xf32, #tpu.memory_space<vmem>>, vector<16xf32>,
        %get3A_167 = vector.shape_cast %get3A_166 : vector<16xf32> to vector<16xf32>
        %sub3A_168 = arith.subf %get3A_167, %max3A_122 : vector<16xf32>
        %exp3A_169 = math.exp %sub3A_168 : vector<16xf32>
        %add3A_170 = arith.addf %add3A_160, %exp3A_169 : vector<16xf32>
        scf.yield %add3A_170 : vector<16xf32>
      }
      %scan3A_131 = arith.constant 512 : i32
      scf.yield %max3A_122, %scan3A_130, %scan3A_120#1, %scan3A_120#2, %scan3A_120#3, %scan3A_120#4, %scan3A_120#5 : vector<16xf32>, vector<16xf32>, vector<16xf32>, vector<16xf32>, vector<16xf32>, vector<16xf32>, vector<16xf32>
    }
    %scan3A_17 = arith.constant 5 : i32
    %swap3A = arith.constant 0 : i32
    %swap3A_18 = arith.index_cast %swap3A : i32 to index
    %swap3A_19 = arith.constant 0 : index
    %swap3A_20 = tpu.vector_load %arg9[%swap3A_18, %swap3A_19] {strides = array<i32>} : memref<8x16xf32, #tpu.memory_space<vmem>>, vector<1x16xf32>,
    %swap3A_21 = vector.shape_cast %swap3A_20 : vector<1x16xf32> to vector<16xf32>
    %swap3A_22 = vector.shape_cast %scan3A_16#0 : vector<16xf32> to vector<1x16xf32>
    tpu.vector_store %arg9[%swap3A_18, %swap3A_19], %swap3A_22 {strides = array<i32>} : memref<8x16xf32, #tpu.memory_space<vmem>>, vector<1x16xf32>,
    %swap3A_23 = arith.constant 1 : i32
    %swap3A_24 = arith.index_cast %swap3A_23 : i32 to index
    %swap3A_25 = arith.constant 0 : index
    %swap3A_26 = tpu.vector_load %arg9[%swap3A_24, %swap3A_25] {strides = array<i32>} : memref<8x16xf32, #tpu.memory_space<vmem>>, vector<1x16xf32>,
    %swap3A_27 = vector.shape_cast %swap3A_26 : vector<1x16xf32> to vector<16xf32>
    %swap3A_28 = vector.shape_cast %scan3A_16#1 : vector<16xf32> to vector<1x16xf32>
    tpu.vector_store %arg9[%swap3A_24, %swap3A_25], %swap3A_28 {strides = array<i32>} : memref<8x16xf32, #tpu.memory_space<vmem>>, vector<1x16xf32>,
    %swap3A_29 = arith.constant 2 : i32
    %swap3A_30 = arith.index_cast %swap3A_29 : i32 to index
    %swap3A_31 = arith.constant 0 : index
    %swap3A_32 = tpu.vector_load %arg9[%swap3A_30, %swap3A_31] {strides = array<i32>} : memref<8x16xf32, #tpu.memory_space<vmem>>, vector<1x16xf32>,
    %swap3A_33 = vector.shape_cast %swap3A_32 : vector<1x16xf32> to vector<16xf32>
    %swap3A_34 = vector.shape_cast %scan3A_16#2 : vector<16xf32> to vector<1x16xf32>
    tpu.vector_store %arg9[%swap3A_30, %swap3A_31], %swap3A_34 {strides = array<i32>} : memref<8x16xf32, #tpu.memory_space<vmem>>, vector<1x16xf32>,
    %swap3A_35 = arith.constant 3 : i32
    %swap3A_36 = arith.index_cast %swap3A_35 : i32 to index
    %swap3A_37 = arith.constant 0 : index
    %swap3A_38 = tpu.vector_load %arg9[%swap3A_36, %swap3A_37] {strides = array<i32>} : memref<8x16xf32, #tpu.memory_space<vmem>>, vector<1x16xf32>,
    %swap3A_39 = vector.shape_cast %swap3A_38 : vector<1x16xf32> to vector<16xf32>
    %swap3A_40 = vector.shape_cast %scan3A_16#3 : vector<16xf32> to vector<1x16xf32>
    tpu.vector_store %arg9[%swap3A_36, %swap3A_37], %swap3A_40 {strides = array<i32>} : memref<8x16xf32, #tpu.memory_space<vmem>>, vector<1x16xf32>,
    %swap3A_41 = arith.constant 4 : i32
    %swap3A_42 = arith.index_cast %swap3A_41 : i32 to index
    %swap3A_43 = arith.constant 0 : index
    %swap3A_44 = tpu.vector_load %arg9[%swap3A_42, %swap3A_43] {strides = array<i32>} : memref<8x16xf32, #tpu.memory_space<vmem>>, vector<1x16xf32>,
    %swap3A_45 = vector.shape_cast %swap3A_44 : vector<1x16xf32> to vector<16xf32>
    %swap3A_46 = vector.shape_cast %scan3A_16#4 : vector<16xf32> to vector<1x16xf32>
    tpu.vector_store %arg9[%swap3A_42, %swap3A_43], %swap3A_46 {strides = array<i32>} : memref<8x16xf32, #tpu.memory_space<vmem>>, vector<1x16xf32>,
    %swap3A_47 = arith.constant 5 : i32
    %swap3A_48 = arith.index_cast %swap3A_47 : i32 to index
    %swap3A_49 = arith.constant 0 : index
    %swap3A_50 = tpu.vector_load %arg9[%swap3A_48, %swap3A_49] {strides = array<i32>} : memref<8x16xf32, #tpu.memory_space<vmem>>, vector<1x16xf32>,
    %swap3A_51 = vector.shape_cast %swap3A_50 : vector<1x16xf32> to vector<16xf32>
    %swap3A_52 = vector.shape_cast %scan3A_16#5 : vector<16xf32> to vector<1x16xf32>
    tpu.vector_store %arg9[%swap3A_48, %swap3A_49], %swap3A_52 {strides = array<i32>} : memref<8x16xf32, #tpu.memory_space<vmem>>, vector<1x16xf32>,
    %swap3A_53 = arith.constant 6 : i32
    %swap3A_54 = arith.index_cast %swap3A_53 : i32 to index
    %swap3A_55 = arith.constant 0 : index
    %swap3A_56 = tpu.vector_load %arg9[%swap3A_54, %swap3A_55] {strides = array<i32>} : memref<8x16xf32, #tpu.memory_space<vmem>>, vector<1x16xf32>,
    %swap3A_57 = vector.shape_cast %swap3A_56 : vector<1x16xf32> to vector<16xf32>
    %swap3A_58 = vector.shape_cast %scan3A_16#6 : vector<16xf32> to vector<1x16xf32>
    tpu.vector_store %arg9[%swap3A_54, %swap3A_55], %swap3A_58 {strides = array<i32>} : memref<8x16xf32, #tpu.memory_space<vmem>>, vector<1x16xf32>,
    %swap3A_59 = arith.constant 7 : i32
    %swap3A_60 = arith.index_cast %swap3A_59 : i32 to index
    %swap3A_61 = arith.constant 0 : index
    %swap3A_62 = tpu.vector_load %arg9[%swap3A_60, %swap3A_61] {strides = array<i32>} : memref<8x16xf32, #tpu.memory_space<vmem>>, vector<1x16xf32>,
    %swap3A_63 = vector.shape_cast %swap3A_62 : vector<1x16xf32> to vector<16xf32>
    %swap3A_64 = vector.shape_cast %broadcast_in_dim3A_3 : vector<16xf32> to vector<1x16xf32>
    tpu.vector_store %arg9[%swap3A_60, %swap3A_61], %swap3A_64 {strides = array<i32>} : memref<8x16xf32, #tpu.memory_space<vmem>>, vector<1x16xf32>,
    "tpu.region"() ({
      %run_scoped3A = tpu.sem_alloc : memref<!tpu.dma_semaphore, #tpu.memory_space<semaphore_mem>>
      %dma_start3A_65 = arith.constant 0 : i32
      %dma_start3A_66 = arith.constant 0 : i32
      %dma_start3A_67 = tpu.memref_slice %arg4[%add3A, %dma_start3A_65, %dma_start3A_66] : memref<32x8x16xf32, #tpu.memory_space<hbm>> -> memref<1x8x16xf32, #tpu.memory_space<hbm>>
      %dma_start3A_68 = tpu.memref_squeeze %dma_start3A_67 : memref<1x8x16xf32, #tpu.memory_space<hbm>> -> memref<8x16xf32, #tpu.memory_space<hbm>>
      %dma_start3A_69 = arith.constant 0 : i32
      %dma_start3A_70 = arith.constant 0 : i32
      %dma_start3A_71 = tpu.memref_slice %arg4[%add3A, %dma_start3A_69, %dma_start3A_70] : memref<32x8x16xf32, #tpu.memory_space<hbm>> -> memref<1x8x16xf32, #tpu.memory_space<hbm>>
      %dma_start3A_72 = tpu.memref_squeeze %dma_start3A_71 : memref<1x8x16xf32, #tpu.memory_space<hbm>> -> memref<8x16xf32, #tpu.memory_space<hbm>>
      tpu.enqueue_dma source(%arg9 : memref<8x16xf32, #tpu.memory_space<vmem>>) target(%dma_start3A_72 : memref<8x16xf32, #tpu.memory_space<hbm>>) target_semaphore(%run_scoped3A : memref<!tpu.dma_semaphore, #tpu.memory_space<semaphore_mem>>)
      %dma_wait3A = arith.constant 0 : i32
      %dma_wait3A_73 = arith.constant 0 : i32
      %dma_wait3A_74 = tpu.memref_slice %arg4[%add3A, %dma_wait3A, %dma_wait3A_73] : memref<32x8x16xf32, #tpu.memory_space<hbm>> -> memref<1x8x16xf32, #tpu.memory_space<hbm>>
      %dma_wait3A_75 = tpu.memref_squeeze %dma_wait3A_74 : memref<1x8x16xf32, #tpu.memory_space<hbm>> -> memref<8x16xf32, #tpu.memory_space<hbm>>
      %dma_wait3A_76 = arith.constant 0 : i32
      %dma_wait3A_77 = arith.constant 0 : i32
      %dma_wait3A_78 = tpu.memref_slice %arg4[%add3A, %dma_wait3A_76, %dma_wait3A_77] : memref<32x8x16xf32, #tpu.memory_space<hbm>> -> memref<1x8x16xf32, #tpu.memory_space<hbm>>
      %dma_wait3A_79 = tpu.memref_squeeze %dma_wait3A_78 : memref<1x8x16xf32, #tpu.memory_space<hbm>> -> memref<8x16xf32, #tpu.memory_space<hbm>>
      tpu.wait_dma2 semaphore(%run_scoped3A : memref<!tpu.dma_semaphore, #tpu.memory_space<semaphore_mem>>) src(%arg9 : memref<8x16xf32, #tpu.memory_space<vmem>>) dst(%dma_wait3A_79 : memref<8x16xf32, #tpu.memory_space<hbm>>)
      tpu.yield
    }) : () -> ()
    return
  }
}

module attributes {stable_mosaic.version = 14 : i64} {
  func.func @_tc_body(%arg0: i32, %arg1: memref<524288xf32, #tpu.memory_space<vmem>>, %arg2: memref<524288xf32, #tpu.memory_space<vmem>>, %arg3: memref<7x8x128xf32, #tpu.memory_space<vmem>>, %arg4: memref<8x128xf32, #tpu.memory_space<vmem>>, %arg5: memref<8x128xf32, #tpu.memory_space<vmem>>, %arg6: memref<8x128xf32, #tpu.memory_space<vmem>>, %arg7: memref<8x128xf32, #tpu.memory_space<vmem>>, %arg8: memref<8x128xf32, #tpu.memory_space<vmem>>, %arg9: memref<8x128xf32, #tpu.memory_space<vmem>>, %arg10: memref<8x128xf32, #tpu.memory_space<vmem>>) attributes {dimension_semantics = [#tpu.dimension_semantics<arbitrary>], iteration_bounds = array<i64: 11>, scalar_prefetch = 0 : i64, scratch_operands = 7 : i64, tpu.core_type = #tpu.core_type<tc>, window_params = [{transform_indices = @transform_0, window_bounds = array<i64: 524288>}, {transform_indices = @transform_1, window_bounds = array<i64: 524288>}, {pipeline_mode = #tpu.pipeline_mode<synchronous>, transform_indices = @transform_2, window_bounds = array<i64: 7, 8, 128>}]} {
    %eq3A = arith.constant 0 : i32
    %eq3A_0 = arith.cmpi eq, %arg0, %eq3A : i32
    %convert_element_type3A = arith.extui %eq3A_0 : i1 to i32
    %cond3A = arith.constant 0 : i32
    %cond3A_1 = arith.cmpi ne, %convert_element_type3A, %cond3A : i32
    scf.if %cond3A_1 {
      %broadcast_in_dim3A_90 = arith.constant -1.000000e+30 : f32
      %broadcast_in_dim3A_91 = vector.broadcast %broadcast_in_dim3A_90 : f32 to vector<8x128xf32>
      %swap3A_92 = arith.constant 0 : index
      %swap3A_93 = arith.constant 0 : index
      %swap3A_94 = vector.load %arg4[%swap3A_92, %swap3A_93] : memref<8x128xf32, #tpu.memory_space<vmem>>, vector<8x128xf32>
      tpu.vector_store %arg4[%swap3A_92, %swap3A_93], %broadcast_in_dim3A_91 {strides = array<i32>} : memref<8x128xf32, #tpu.memory_space<vmem>>, vector<8x128xf32>,
      %broadcast_in_dim3A_95 = arith.constant 0.000000e+00 : f32
      %broadcast_in_dim3A_96 = vector.broadcast %broadcast_in_dim3A_95 : f32 to vector<8x128xf32>
      %swap3A_97 = arith.constant 0 : index
      %swap3A_98 = arith.constant 0 : index
      %swap3A_99 = vector.load %arg5[%swap3A_97, %swap3A_98] : memref<8x128xf32, #tpu.memory_space<vmem>>, vector<8x128xf32>
      tpu.vector_store %arg5[%swap3A_97, %swap3A_98], %broadcast_in_dim3A_96 {strides = array<i32>} : memref<8x128xf32, #tpu.memory_space<vmem>>, vector<8x128xf32>,
      %broadcast_in_dim3A_100 = arith.constant 0.000000e+00 : f32
      %broadcast_in_dim3A_101 = vector.broadcast %broadcast_in_dim3A_100 : f32 to vector<8x128xf32>
      %swap3A_102 = arith.constant 0 : index
      %swap3A_103 = arith.constant 0 : index
      %swap3A_104 = vector.load %arg6[%swap3A_102, %swap3A_103] : memref<8x128xf32, #tpu.memory_space<vmem>>, vector<8x128xf32>
      tpu.vector_store %arg6[%swap3A_102, %swap3A_103], %broadcast_in_dim3A_101 {strides = array<i32>} : memref<8x128xf32, #tpu.memory_space<vmem>>, vector<8x128xf32>,
      %broadcast_in_dim3A_105 = arith.constant 0.000000e+00 : f32
      %broadcast_in_dim3A_106 = vector.broadcast %broadcast_in_dim3A_105 : f32 to vector<8x128xf32>
      %swap3A_107 = arith.constant 0 : index
      %swap3A_108 = arith.constant 0 : index
      %swap3A_109 = vector.load %arg7[%swap3A_107, %swap3A_108] : memref<8x128xf32, #tpu.memory_space<vmem>>, vector<8x128xf32>
      tpu.vector_store %arg7[%swap3A_107, %swap3A_108], %broadcast_in_dim3A_106 {strides = array<i32>} : memref<8x128xf32, #tpu.memory_space<vmem>>, vector<8x128xf32>,
      %broadcast_in_dim3A_110 = arith.constant 0.000000e+00 : f32
      %broadcast_in_dim3A_111 = vector.broadcast %broadcast_in_dim3A_110 : f32 to vector<8x128xf32>
      %swap3A_112 = arith.constant 0 : index
      %swap3A_113 = arith.constant 0 : index
      %swap3A_114 = vector.load %arg8[%swap3A_112, %swap3A_113] : memref<8x128xf32, #tpu.memory_space<vmem>>, vector<8x128xf32>
      tpu.vector_store %arg8[%swap3A_112, %swap3A_113], %broadcast_in_dim3A_111 {strides = array<i32>} : memref<8x128xf32, #tpu.memory_space<vmem>>, vector<8x128xf32>,
      %broadcast_in_dim3A_115 = arith.constant 0.000000e+00 : f32
      %broadcast_in_dim3A_116 = vector.broadcast %broadcast_in_dim3A_115 : f32 to vector<8x128xf32>
      %swap3A_117 = arith.constant 0 : index
      %swap3A_118 = arith.constant 0 : index
      %swap3A_119 = vector.load %arg9[%swap3A_117, %swap3A_118] : memref<8x128xf32, #tpu.memory_space<vmem>>, vector<8x128xf32>
      tpu.vector_store %arg9[%swap3A_117, %swap3A_118], %broadcast_in_dim3A_116 {strides = array<i32>} : memref<8x128xf32, #tpu.memory_space<vmem>>, vector<8x128xf32>,
      %broadcast_in_dim3A_120 = arith.constant 0.000000e+00 : f32
      %broadcast_in_dim3A_121 = vector.broadcast %broadcast_in_dim3A_120 : f32 to vector<8x128xf32>
      %swap3A_122 = arith.constant 0 : index
      %swap3A_123 = arith.constant 0 : index
      %swap3A_124 = vector.load %arg10[%swap3A_122, %swap3A_123] : memref<8x128xf32, #tpu.memory_space<vmem>>, vector<8x128xf32>
      tpu.vector_store %arg10[%swap3A_122, %swap3A_123], %broadcast_in_dim3A_121 {strides = array<i32>} : memref<8x128xf32, #tpu.memory_space<vmem>>, vector<8x128xf32>,
    } else {
    }
    %get3A = arith.constant 0 : index
    %get3A_2 = vector.load %arg1[%get3A] : memref<524288xf32, #tpu.memory_space<vmem>>, vector<524288xf32>
    %reshape3A = vector.shape_cast %get3A_2 : vector<524288xf32> to vector<512x8x128xf32>
    %get3A_3 = arith.constant 0 : index
    %get3A_4 = vector.load %arg2[%get3A_3] : memref<524288xf32, #tpu.memory_space<vmem>>, vector<524288xf32>
    %reshape3A_5 = vector.shape_cast %get3A_4 : vector<524288xf32> to vector<512x8x128xf32>
    %broadcast_in_dim3A = arith.constant 0.000000e+00 : f32
    %broadcast_in_dim3A_6 = vector.broadcast %broadcast_in_dim3A : f32 to vector<512x8x128xf32>
    %mul3A = arith.mulf %reshape3A_5, %reshape3A : vector<512x8x128xf32>
    %gt3A = arith.cmpf ogt, %reshape3A_5, %reshape3A : vector<512x8x128xf32>
    %neg3A = arith.constant 0.000000e+00 : f32
    %neg3A_7 = vector.broadcast %neg3A : f32 to vector<512x8x128xf32>
    %neg3A_8 = arith.subf %neg3A_7, %reshape3A : vector<512x8x128xf32>
    %exp3A = math.exp %neg3A_8 : vector<512x8x128xf32>
    %add3A = arith.constant 1.000000e+00 : f32
    %add3A_9 = vector.broadcast %add3A : f32 to vector<512x8x128xf32>
    %add3A_10 = arith.addf %add3A_9, %exp3A : vector<512x8x128xf32>
    %div3A = arith.constant 1.000000e+00 : f32
    %div3A_11 = vector.broadcast %div3A : f32 to vector<512x8x128xf32>
    %div3A_12 = arith.divf %div3A_11, %add3A_10 : vector<512x8x128xf32>
    %sub3A = arith.subf %div3A_12, %reshape3A_5 : vector<512x8x128xf32>
    %abs3A = math.absf %sub3A : vector<512x8x128xf32>
    %get3A_13 = arith.constant 0 : index
    %get3A_14 = arith.constant 0 : index
    %get3A_15 = vector.load %arg6[%get3A_13, %get3A_14] : memref<8x128xf32, #tpu.memory_space<vmem>>, vector<8x128xf32>
    %reduce_sum3A = arith.constant dense<0.000000e+00> : vector<8x128xf32>
    %reduce_sum3A_16 = vector.multi_reduction <add>, %reshape3A_5, %reduce_sum3A [0] : vector<512x8x128xf32> to vector<8x128xf32>
    %add3A_17 = arith.addf %get3A_15, %reduce_sum3A_16 : vector<8x128xf32>
    %swap3A = arith.constant 0 : index
    %swap3A_18 = arith.constant 0 : index
    %swap3A_19 = vector.load %arg6[%swap3A, %swap3A_18] : memref<8x128xf32, #tpu.memory_space<vmem>>, vector<8x128xf32>
    tpu.vector_store %arg6[%swap3A, %swap3A_18], %add3A_17 {strides = array<i32>} : memref<8x128xf32, #tpu.memory_space<vmem>>, vector<8x128xf32>,
    %get3A_20 = arith.constant 0 : index
    %get3A_21 = arith.constant 0 : index
    %get3A_22 = vector.load %arg7[%get3A_20, %get3A_21] : memref<8x128xf32, #tpu.memory_space<vmem>>, vector<8x128xf32>
    %reduce_sum3A_23 = arith.constant dense<0.000000e+00> : vector<8x128xf32>
    %reduce_sum3A_24 = vector.multi_reduction <add>, %mul3A, %reduce_sum3A_23 [0] : vector<512x8x128xf32> to vector<8x128xf32>
    %add3A_25 = arith.addf %get3A_22, %reduce_sum3A_24 : vector<8x128xf32>
    %swap3A_26 = arith.constant 0 : index
    %swap3A_27 = arith.constant 0 : index
    %swap3A_28 = vector.load %arg7[%swap3A_26, %swap3A_27] : memref<8x128xf32, #tpu.memory_space<vmem>>, vector<8x128xf32>
    tpu.vector_store %arg7[%swap3A_26, %swap3A_27], %add3A_25 {strides = array<i32>} : memref<8x128xf32, #tpu.memory_space<vmem>>, vector<8x128xf32>,
    %get3A_29 = arith.constant 0 : index
    %get3A_30 = arith.constant 0 : index
    %get3A_31 = vector.load %arg8[%get3A_29, %get3A_30] : memref<8x128xf32, #tpu.memory_space<vmem>>, vector<8x128xf32>
    %select_n3A = arith.select %gt3A, %reshape3A_5, %broadcast_in_dim3A_6 : vector<512x8x128xi1>, vector<512x8x128xf32>
    %reduce_sum3A_32 = arith.constant dense<0.000000e+00> : vector<8x128xf32>
    %reduce_sum3A_33 = vector.multi_reduction <add>, %select_n3A, %reduce_sum3A_32 [0] : vector<512x8x128xf32> to vector<8x128xf32>
    %add3A_34 = arith.addf %get3A_31, %reduce_sum3A_33 : vector<8x128xf32>
    %swap3A_35 = arith.constant 0 : index
    %swap3A_36 = arith.constant 0 : index
    %swap3A_37 = vector.load %arg8[%swap3A_35, %swap3A_36] : memref<8x128xf32, #tpu.memory_space<vmem>>, vector<8x128xf32>
    tpu.vector_store %arg8[%swap3A_35, %swap3A_36], %add3A_34 {strides = array<i32>} : memref<8x128xf32, #tpu.memory_space<vmem>>, vector<8x128xf32>,
    %get3A_38 = arith.constant 0 : index
    %get3A_39 = arith.constant 0 : index
    %get3A_40 = vector.load %arg9[%get3A_38, %get3A_39] : memref<8x128xf32, #tpu.memory_space<vmem>>, vector<8x128xf32>
    %select_n3A_41 = arith.select %gt3A, %mul3A, %broadcast_in_dim3A_6 : vector<512x8x128xi1>, vector<512x8x128xf32>
    %reduce_sum3A_42 = arith.constant dense<0.000000e+00> : vector<8x128xf32>
    %reduce_sum3A_43 = vector.multi_reduction <add>, %select_n3A_41, %reduce_sum3A_42 [0] : vector<512x8x128xf32> to vector<8x128xf32>
    %add3A_44 = arith.addf %get3A_40, %reduce_sum3A_43 : vector<8x128xf32>
    %swap3A_45 = arith.constant 0 : index
    %swap3A_46 = arith.constant 0 : index
    %swap3A_47 = vector.load %arg9[%swap3A_45, %swap3A_46] : memref<8x128xf32, #tpu.memory_space<vmem>>, vector<8x128xf32>
    tpu.vector_store %arg9[%swap3A_45, %swap3A_46], %add3A_44 {strides = array<i32>} : memref<8x128xf32, #tpu.memory_space<vmem>>, vector<8x128xf32>,
    %get3A_48 = arith.constant 0 : index
    %get3A_49 = arith.constant 0 : index
    %get3A_50 = vector.load %arg10[%get3A_48, %get3A_49] : memref<8x128xf32, #tpu.memory_space<vmem>>, vector<8x128xf32>
    %le3A = arith.constant 1.00000095 : f32
    %le3A_51 = vector.broadcast %le3A : f32 to vector<512x8x128xf32>
    %le3A_52 = arith.cmpf ole, %abs3A, %le3A_51 : vector<512x8x128xf32>
    %broadcast_in_dim3A_53 = arith.constant 1.000000e+00 : f32
    %broadcast_in_dim3A_54 = vector.broadcast %broadcast_in_dim3A_53 : f32 to vector<512x8x128xf32>
    %select_n3A_55 = arith.select %le3A_52, %broadcast_in_dim3A_54, %broadcast_in_dim3A_6 : vector<512x8x128xi1>, vector<512x8x128xf32>
    %reduce_sum3A_56 = arith.constant dense<0.000000e+00> : vector<8x128xf32>
    %reduce_sum3A_57 = vector.multi_reduction <add>, %select_n3A_55, %reduce_sum3A_56 [0] : vector<512x8x128xf32> to vector<8x128xf32>
    %add3A_58 = arith.addf %get3A_50, %reduce_sum3A_57 : vector<8x128xf32>
    %swap3A_59 = arith.constant 0 : index
    %swap3A_60 = arith.constant 0 : index
    %swap3A_61 = vector.load %arg10[%swap3A_59, %swap3A_60] : memref<8x128xf32, #tpu.memory_space<vmem>>, vector<8x128xf32>
    tpu.vector_store %arg10[%swap3A_59, %swap3A_60], %add3A_58 {strides = array<i32>} : memref<8x128xf32, #tpu.memory_space<vmem>>, vector<8x128xf32>,
    %get3A_62 = arith.constant 0 : index
    %get3A_63 = arith.constant 0 : index
    %get3A_64 = vector.load %arg4[%get3A_62, %get3A_63] : memref<8x128xf32, #tpu.memory_space<vmem>>, vector<8x128xf32>
    %reduce_max3A = arith.constant dense<0xFF800000> : vector<8x128xf32>
    %reduce_max3A_65 = vector.multi_reduction <maximumf>, %reshape3A, %reduce_max3A [0] : vector<512x8x128xf32> to vector<8x128xf32>
    %max3A = arith.maximumf %get3A_64, %reduce_max3A_65 : vector<8x128xf32>
    %get3A_66 = arith.constant 0 : index
    %get3A_67 = arith.constant 0 : index
    %get3A_68 = vector.load %arg5[%get3A_66, %get3A_67] : memref<8x128xf32, #tpu.memory_space<vmem>>, vector<8x128xf32>
    %sub3A_69 = arith.subf %get3A_64, %max3A : vector<8x128xf32>
    %exp3A_70 = math.exp %sub3A_69 : vector<8x128xf32>
    %mul3A_71 = arith.mulf %get3A_68, %exp3A_70 : vector<8x128xf32>
    %broadcast_in_dim3A_72 = vector.shape_cast %max3A : vector<8x128xf32> to vector<1x8x128xf32>
    %sub3A_73 = vector.broadcast %broadcast_in_dim3A_72 : vector<1x8x128xf32> to vector<512x8x128xf32>
    %sub3A_74 = arith.subf %reshape3A, %sub3A_73 : vector<512x8x128xf32>
    %exp3A_75 = math.exp %sub3A_74 : vector<512x8x128xf32>
    %reduce_sum3A_76 = arith.constant dense<0.000000e+00> : vector<8x128xf32>
    %reduce_sum3A_77 = vector.multi_reduction <add>, %exp3A_75, %reduce_sum3A_76 [0] : vector<512x8x128xf32> to vector<8x128xf32>
    %add3A_78 = arith.addf %mul3A_71, %reduce_sum3A_77 : vector<8x128xf32>
    %swap3A_79 = arith.constant 0 : index
    %swap3A_80 = arith.constant 0 : index
    %swap3A_81 = vector.load %arg5[%swap3A_79, %swap3A_80] : memref<8x128xf32, #tpu.memory_space<vmem>>, vector<8x128xf32>
    tpu.vector_store %arg5[%swap3A_79, %swap3A_80], %add3A_78 {strides = array<i32>} : memref<8x128xf32, #tpu.memory_space<vmem>>, vector<8x128xf32>,
    %swap3A_82 = arith.constant 0 : index
    %swap3A_83 = arith.constant 0 : index
    %swap3A_84 = vector.load %arg4[%swap3A_82, %swap3A_83] : memref<8x128xf32, #tpu.memory_space<vmem>>, vector<8x128xf32>
    tpu.vector_store %arg4[%swap3A_82, %swap3A_83], %max3A {strides = array<i32>} : memref<8x128xf32, #tpu.memory_space<vmem>>, vector<8x128xf32>,
    %eq3A_85 = arith.constant 10 : i32
    %eq3A_86 = arith.cmpi eq, %arg0, %eq3A_85 : i32
    %convert_element_type3A_87 = arith.extui %eq3A_86 : i1 to i32
    %cond3A_88 = arith.constant 0 : i32
    %cond3A_89 = arith.cmpi ne, %convert_element_type3A_87, %cond3A_88 : i32
    scf.if %cond3A_89 {
      %get3A_90 = arith.constant 0 : index
      %get3A_91 = arith.constant 0 : index
      %get3A_92 = vector.load %arg4[%get3A_90, %get3A_91] : memref<8x128xf32, #tpu.memory_space<vmem>>, vector<8x128xf32>
      %swap3A_93 = arith.constant 0 : index
      %swap3A_94 = arith.constant 0 : index
      %swap3A_95 = arith.constant 0 : index
      %swap3A_96 = vector.load %arg3[%swap3A_93, %swap3A_94, %swap3A_95] : memref<7x8x128xf32, #tpu.memory_space<vmem>>, vector<1x8x128xf32>
      %swap3A_97 = vector.shape_cast %swap3A_96 : vector<1x8x128xf32> to vector<8x128xf32>
      %swap3A_98 = vector.shape_cast %get3A_92 : vector<8x128xf32> to vector<1x8x128xf32>
      tpu.vector_store %arg3[%swap3A_93, %swap3A_94, %swap3A_95], %swap3A_98 {strides = array<i32>} : memref<7x8x128xf32, #tpu.memory_space<vmem>>, vector<1x8x128xf32>,
      %get3A_99 = arith.constant 0 : index
      %get3A_100 = arith.constant 0 : index
      %get3A_101 = vector.load %arg5[%get3A_99, %get3A_100] : memref<8x128xf32, #tpu.memory_space<vmem>>, vector<8x128xf32>
      %swap3A_102 = arith.constant 1 : index
      %swap3A_103 = arith.constant 0 : index
      %swap3A_104 = arith.constant 0 : index
      %swap3A_105 = vector.load %arg3[%swap3A_102, %swap3A_103, %swap3A_104] : memref<7x8x128xf32, #tpu.memory_space<vmem>>, vector<1x8x128xf32>
      %swap3A_106 = vector.shape_cast %swap3A_105 : vector<1x8x128xf32> to vector<8x128xf32>
      %swap3A_107 = vector.shape_cast %get3A_101 : vector<8x128xf32> to vector<1x8x128xf32>
      tpu.vector_store %arg3[%swap3A_102, %swap3A_103, %swap3A_104], %swap3A_107 {strides = array<i32>} : memref<7x8x128xf32, #tpu.memory_space<vmem>>, vector<1x8x128xf32>,
      %get3A_108 = arith.constant 0 : index
      %get3A_109 = arith.constant 0 : index
      %get3A_110 = vector.load %arg6[%get3A_108, %get3A_109] : memref<8x128xf32, #tpu.memory_space<vmem>>, vector<8x128xf32>
      %swap3A_111 = arith.constant 2 : index
      %swap3A_112 = arith.constant 0 : index
      %swap3A_113 = arith.constant 0 : index
      %swap3A_114 = vector.load %arg3[%swap3A_111, %swap3A_112, %swap3A_113] : memref<7x8x128xf32, #tpu.memory_space<vmem>>, vector<1x8x128xf32>
      %swap3A_115 = vector.shape_cast %swap3A_114 : vector<1x8x128xf32> to vector<8x128xf32>
      %swap3A_116 = vector.shape_cast %get3A_110 : vector<8x128xf32> to vector<1x8x128xf32>
      tpu.vector_store %arg3[%swap3A_111, %swap3A_112, %swap3A_113], %swap3A_116 {strides = array<i32>} : memref<7x8x128xf32, #tpu.memory_space<vmem>>, vector<1x8x128xf32>,
      %get3A_117 = arith.constant 0 : index
      %get3A_118 = arith.constant 0 : index
      %get3A_119 = vector.load %arg7[%get3A_117, %get3A_118] : memref<8x128xf32, #tpu.memory_space<vmem>>, vector<8x128xf32>
      %swap3A_120 = arith.constant 3 : index
      %swap3A_121 = arith.constant 0 : index
      %swap3A_122 = arith.constant 0 : index
      %swap3A_123 = vector.load %arg3[%swap3A_120, %swap3A_121, %swap3A_122] : memref<7x8x128xf32, #tpu.memory_space<vmem>>, vector<1x8x128xf32>
      %swap3A_124 = vector.shape_cast %swap3A_123 : vector<1x8x128xf32> to vector<8x128xf32>
      %swap3A_125 = vector.shape_cast %get3A_119 : vector<8x128xf32> to vector<1x8x128xf32>
      tpu.vector_store %arg3[%swap3A_120, %swap3A_121, %swap3A_122], %swap3A_125 {strides = array<i32>} : memref<7x8x128xf32, #tpu.memory_space<vmem>>, vector<1x8x128xf32>,
      %get3A_126 = arith.constant 0 : index
      %get3A_127 = arith.constant 0 : index
      %get3A_128 = vector.load %arg8[%get3A_126, %get3A_127] : memref<8x128xf32, #tpu.memory_space<vmem>>, vector<8x128xf32>
      %swap3A_129 = arith.constant 4 : index
      %swap3A_130 = arith.constant 0 : index
      %swap3A_131 = arith.constant 0 : index
      %swap3A_132 = vector.load %arg3[%swap3A_129, %swap3A_130, %swap3A_131] : memref<7x8x128xf32, #tpu.memory_space<vmem>>, vector<1x8x128xf32>
      %swap3A_133 = vector.shape_cast %swap3A_132 : vector<1x8x128xf32> to vector<8x128xf32>
      %swap3A_134 = vector.shape_cast %get3A_128 : vector<8x128xf32> to vector<1x8x128xf32>
      tpu.vector_store %arg3[%swap3A_129, %swap3A_130, %swap3A_131], %swap3A_134 {strides = array<i32>} : memref<7x8x128xf32, #tpu.memory_space<vmem>>, vector<1x8x128xf32>,
      %get3A_135 = arith.constant 0 : index
      %get3A_136 = arith.constant 0 : index
      %get3A_137 = vector.load %arg9[%get3A_135, %get3A_136] : memref<8x128xf32, #tpu.memory_space<vmem>>, vector<8x128xf32>
      %swap3A_138 = arith.constant 5 : index
      %swap3A_139 = arith.constant 0 : index
      %swap3A_140 = arith.constant 0 : index
      %swap3A_141 = vector.load %arg3[%swap3A_138, %swap3A_139, %swap3A_140] : memref<7x8x128xf32, #tpu.memory_space<vmem>>, vector<1x8x128xf32>
      %swap3A_142 = vector.shape_cast %swap3A_141 : vector<1x8x128xf32> to vector<8x128xf32>
      %swap3A_143 = vector.shape_cast %get3A_137 : vector<8x128xf32> to vector<1x8x128xf32>
      tpu.vector_store %arg3[%swap3A_138, %swap3A_139, %swap3A_140], %swap3A_143 {strides = array<i32>} : memref<7x8x128xf32, #tpu.memory_space<vmem>>, vector<1x8x128xf32>,
      %get3A_144 = arith.constant 0 : index
      %get3A_145 = arith.constant 0 : index
      %get3A_146 = vector.load %arg10[%get3A_144, %get3A_145] : memref<8x128xf32, #tpu.memory_space<vmem>>, vector<8x128xf32>
      %swap3A_147 = arith.constant 6 : index
      %swap3A_148 = arith.constant 0 : index
      %swap3A_149 = arith.constant 0 : index
      %swap3A_150 = vector.load %arg3[%swap3A_147, %swap3A_148, %swap3A_149] : memref<7x8x128xf32, #tpu.memory_space<vmem>>, vector<1x8x128xf32>
      %swap3A_151 = vector.shape_cast %swap3A_150 : vector<1x8x128xf32> to vector<8x128xf32>
      %swap3A_152 = vector.shape_cast %get3A_146 : vector<8x128xf32> to vector<1x8x128xf32>
      tpu.vector_store %arg3[%swap3A_147, %swap3A_148, %swap3A_149], %swap3A_152 {strides = array<i32>} : memref<7x8x128xf32, #tpu.memory_space<vmem>>, vector<1x8x128xf32>,
    } else {
    }
    return
  }
  func.func @transform_0(%arg0: i32) -> i32 {
    %add3A = arith.constant 5 : i32
    %add3A_0 = arith.addi %add3A, %arg0 : i32
    %c0_i32 = arith.constant 0 : i32
    return %add3A_0 : i32
  }
  func.func @transform_1(%arg0: i32) -> i32 {
    %add3A = arith.constant 5 : i32
    %add3A_0 = arith.addi %add3A, %arg0 : i32
    %c0_i32 = arith.constant 0 : i32
    return %add3A_0 : i32
  }
  func.func @transform_2(%arg0: i32) -> (i32, i32, i32) {
    %c0_i32 = arith.constant 0 : i32
    %c0_i32_0 = arith.constant 0 : i32
    %c0_i32_1 = arith.constant 0 : i32
    %c0_i32_2 = arith.constant 0 : i32
    return %c0_i32, %c0_i32_0, %c0_i32_1 : i32, i32, i32
  }
}

module attributes {stable_mosaic.version = 14 : i64} {
  func.func @_combine_body(%arg0: memref<32x8x16xf32, #tpu.memory_space<vmem>>, %arg1: memref<7x8x128xf32, #tpu.memory_space<vmem>>, %arg2: memref<f32, #tpu.memory_space<smem>>) attributes {dimension_semantics = [], scalar_prefetch = 0 : i64, scratch_operands = 0 : i64, tpu.core_type = #tpu.core_type<tc>} {
    %get3A = arith.constant 0 : index
    %get3A_0 = arith.constant 0 : index
    %get3A_1 = arith.constant 0 : index
    %get3A_2 = vector.load %arg0[%get3A, %get3A_0, %get3A_1] : memref<32x8x16xf32, #tpu.memory_space<vmem>>, vector<32x8x16xf32>
    %get3A_3 = arith.constant 0 : index
    %get3A_4 = arith.constant 0 : index
    %get3A_5 = arith.constant 0 : index
    %get3A_6 = vector.load %arg1[%get3A_3, %get3A_4, %get3A_5] : memref<7x8x128xf32, #tpu.memory_space<vmem>>, vector<1x8x128xf32>
    %get3A_7 = vector.shape_cast %get3A_6 : vector<1x8x128xf32> to vector<8x128xf32>
    %slice3A = vector.extract_strided_slice %get3A_2 {offsets = [0, 0, 0], sizes = [32, 1, 16], strides = [1, 1, 1]} : vector<32x8x16xf32> to vector<32x1x16xf32>
    %squeeze3A = vector.shape_cast %slice3A : vector<32x1x16xf32> to vector<32x16xf32>
    %reduce_max3A = vector.shape_cast %squeeze3A : vector<32x16xf32> to vector<1x32x16xf32>
    %reduce_max3A_8 = arith.constant dense<0xFF800000> : vector<1xf32>
    %reduce_max3A_9 = vector.multi_reduction <maximumf>, %reduce_max3A, %reduce_max3A_8 [1, 2] : vector<1x32x16xf32> to vector<1xf32>
    %reduce_max3A_10 = vector.shape_cast %reduce_max3A_9 : vector<1xf32> to vector<1x1x1xf32>
    %reduce_max3A_11 = vector.extract %reduce_max3A_10[0, 0, 0] : f32 from vector<1x1x1xf32>
    %reduce_max3A_12 = vector.shape_cast %get3A_7 : vector<8x128xf32> to vector<1x8x128xf32>
    %reduce_max3A_13 = arith.constant dense<0xFF800000> : vector<1xf32>
    %reduce_max3A_14 = vector.multi_reduction <maximumf>, %reduce_max3A_12, %reduce_max3A_13 [1, 2] : vector<1x8x128xf32> to vector<1xf32>
    %reduce_max3A_15 = vector.shape_cast %reduce_max3A_14 : vector<1xf32> to vector<1x1x1xf32>
    %reduce_max3A_16 = vector.extract %reduce_max3A_15[0, 0, 0] : f32 from vector<1x1x1xf32>
    %max3A = arith.maximumf %reduce_max3A_11, %reduce_max3A_16 : f32
    %slice3A_17 = vector.extract_strided_slice %get3A_2 {offsets = [0, 1, 0], sizes = [32, 1, 16], strides = [1, 1, 1]} : vector<32x8x16xf32> to vector<32x1x16xf32>
    %squeeze3A_18 = vector.shape_cast %slice3A_17 : vector<32x1x16xf32> to vector<32x16xf32>
    %slice3A_19 = vector.extract_strided_slice %get3A_2 {offsets = [0, 0, 0], sizes = [32, 1, 16], strides = [1, 1, 1]} : vector<32x8x16xf32> to vector<32x1x16xf32>
    %squeeze3A_20 = vector.shape_cast %slice3A_19 : vector<32x1x16xf32> to vector<32x16xf32>
    %sub3A = vector.broadcast %max3A : f32 to vector<32x16xf32>
    %sub3A_21 = arith.subf %squeeze3A_20, %sub3A : vector<32x16xf32>
    %exp3A = math.exp %sub3A_21 : vector<32x16xf32>
    %mul3A = arith.mulf %squeeze3A_18, %exp3A : vector<32x16xf32>
    %reduce_sum3A = vector.shape_cast %mul3A : vector<32x16xf32> to vector<1x32x16xf32>
    %reduce_sum3A_22 = arith.constant dense<0.000000e+00> : vector<1xf32>
    %reduce_sum3A_23 = vector.multi_reduction <add>, %reduce_sum3A, %reduce_sum3A_22 [1, 2] : vector<1x32x16xf32> to vector<1xf32>
    %reduce_sum3A_24 = vector.shape_cast %reduce_sum3A_23 : vector<1xf32> to vector<1x1x1xf32>
    %reduce_sum3A_25 = vector.extract %reduce_sum3A_24[0, 0, 0] : f32 from vector<1x1x1xf32>
    %get3A_26 = arith.constant 1 : index
    %get3A_27 = arith.constant 0 : index
    %get3A_28 = arith.constant 0 : index
    %get3A_29 = vector.load %arg1[%get3A_26, %get3A_27, %get3A_28] : memref<7x8x128xf32, #tpu.memory_space<vmem>>, vector<1x8x128xf32>
    %get3A_30 = vector.shape_cast %get3A_29 : vector<1x8x128xf32> to vector<8x128xf32>
    %sub3A_31 = vector.broadcast %max3A : f32 to vector<8x128xf32>
    %sub3A_32 = arith.subf %get3A_7, %sub3A_31 : vector<8x128xf32>
    %exp3A_33 = math.exp %sub3A_32 : vector<8x128xf32>
    %mul3A_34 = arith.mulf %get3A_30, %exp3A_33 : vector<8x128xf32>
    %reduce_sum3A_35 = vector.shape_cast %mul3A_34 : vector<8x128xf32> to vector<1x8x128xf32>
    %reduce_sum3A_36 = arith.constant dense<0.000000e+00> : vector<1xf32>
    %reduce_sum3A_37 = vector.multi_reduction <add>, %reduce_sum3A_35, %reduce_sum3A_36 [1, 2] : vector<1x8x128xf32> to vector<1xf32>
    %reduce_sum3A_38 = vector.shape_cast %reduce_sum3A_37 : vector<1xf32> to vector<1x1x1xf32>
    %reduce_sum3A_39 = vector.extract %reduce_sum3A_38[0, 0, 0] : f32 from vector<1x1x1xf32>
    %add3A = arith.addf %reduce_sum3A_25, %reduce_sum3A_39 : f32
    %log3A = math.log %add3A : f32
    %add3A_40 = arith.addf %max3A, %log3A : f32
    %slice3A_41 = vector.extract_strided_slice %get3A_2 {offsets = [0, 2, 0], sizes = [32, 1, 16], strides = [1, 1, 1]} : vector<32x8x16xf32> to vector<32x1x16xf32>
    %squeeze3A_42 = vector.shape_cast %slice3A_41 : vector<32x1x16xf32> to vector<32x16xf32>
    %reduce_sum3A_43 = vector.shape_cast %squeeze3A_42 : vector<32x16xf32> to vector<1x32x16xf32>
    %reduce_sum3A_44 = arith.constant dense<0.000000e+00> : vector<1xf32>
    %reduce_sum3A_45 = vector.multi_reduction <add>, %reduce_sum3A_43, %reduce_sum3A_44 [1, 2] : vector<1x32x16xf32> to vector<1xf32>
    %reduce_sum3A_46 = vector.shape_cast %reduce_sum3A_45 : vector<1xf32> to vector<1x1x1xf32>
    %reduce_sum3A_47 = vector.extract %reduce_sum3A_46[0, 0, 0] : f32 from vector<1x1x1xf32>
    %get3A_48 = arith.constant 2 : index
    %get3A_49 = arith.constant 0 : index
    %get3A_50 = arith.constant 0 : index
    %get3A_51 = vector.load %arg1[%get3A_48, %get3A_49, %get3A_50] : memref<7x8x128xf32, #tpu.memory_space<vmem>>, vector<1x8x128xf32>
    %get3A_52 = vector.shape_cast %get3A_51 : vector<1x8x128xf32> to vector<8x128xf32>
    %reduce_sum3A_53 = vector.shape_cast %get3A_52 : vector<8x128xf32> to vector<1x8x128xf32>
    %reduce_sum3A_54 = arith.constant dense<0.000000e+00> : vector<1xf32>
    %reduce_sum3A_55 = vector.multi_reduction <add>, %reduce_sum3A_53, %reduce_sum3A_54 [1, 2] : vector<1x8x128xf32> to vector<1xf32>
    %reduce_sum3A_56 = vector.shape_cast %reduce_sum3A_55 : vector<1xf32> to vector<1x1x1xf32>
    %reduce_sum3A_57 = vector.extract %reduce_sum3A_56[0, 0, 0] : f32 from vector<1x1x1xf32>
    %add3A_58 = arith.addf %reduce_sum3A_47, %reduce_sum3A_57 : f32
    %slice3A_59 = vector.extract_strided_slice %get3A_2 {offsets = [0, 3, 0], sizes = [32, 1, 16], strides = [1, 1, 1]} : vector<32x8x16xf32> to vector<32x1x16xf32>
    %squeeze3A_60 = vector.shape_cast %slice3A_59 : vector<32x1x16xf32> to vector<32x16xf32>
    %reduce_sum3A_61 = vector.shape_cast %squeeze3A_60 : vector<32x16xf32> to vector<1x32x16xf32>
    %reduce_sum3A_62 = arith.constant dense<0.000000e+00> : vector<1xf32>
    %reduce_sum3A_63 = vector.multi_reduction <add>, %reduce_sum3A_61, %reduce_sum3A_62 [1, 2] : vector<1x32x16xf32> to vector<1xf32>
    %reduce_sum3A_64 = vector.shape_cast %reduce_sum3A_63 : vector<1xf32> to vector<1x1x1xf32>
    %reduce_sum3A_65 = vector.extract %reduce_sum3A_64[0, 0, 0] : f32 from vector<1x1x1xf32>
    %get3A_66 = arith.constant 3 : index
    %get3A_67 = arith.constant 0 : index
    %get3A_68 = arith.constant 0 : index
    %get3A_69 = vector.load %arg1[%get3A_66, %get3A_67, %get3A_68] : memref<7x8x128xf32, #tpu.memory_space<vmem>>, vector<1x8x128xf32>
    %get3A_70 = vector.shape_cast %get3A_69 : vector<1x8x128xf32> to vector<8x128xf32>
    %reduce_sum3A_71 = vector.shape_cast %get3A_70 : vector<8x128xf32> to vector<1x8x128xf32>
    %reduce_sum3A_72 = arith.constant dense<0.000000e+00> : vector<1xf32>
    %reduce_sum3A_73 = vector.multi_reduction <add>, %reduce_sum3A_71, %reduce_sum3A_72 [1, 2] : vector<1x8x128xf32> to vector<1xf32>
    %reduce_sum3A_74 = vector.shape_cast %reduce_sum3A_73 : vector<1xf32> to vector<1x1x1xf32>
    %reduce_sum3A_75 = vector.extract %reduce_sum3A_74[0, 0, 0] : f32 from vector<1x1x1xf32>
    %add3A_76 = arith.addf %reduce_sum3A_65, %reduce_sum3A_75 : f32
    %slice3A_77 = vector.extract_strided_slice %get3A_2 {offsets = [0, 4, 0], sizes = [32, 1, 16], strides = [1, 1, 1]} : vector<32x8x16xf32> to vector<32x1x16xf32>
    %squeeze3A_78 = vector.shape_cast %slice3A_77 : vector<32x1x16xf32> to vector<32x16xf32>
    %reduce_sum3A_79 = vector.shape_cast %squeeze3A_78 : vector<32x16xf32> to vector<1x32x16xf32>
    %reduce_sum3A_80 = arith.constant dense<0.000000e+00> : vector<1xf32>
    %reduce_sum3A_81 = vector.multi_reduction <add>, %reduce_sum3A_79, %reduce_sum3A_80 [1, 2] : vector<1x32x16xf32> to vector<1xf32>
    %reduce_sum3A_82 = vector.shape_cast %reduce_sum3A_81 : vector<1xf32> to vector<1x1x1xf32>
    %reduce_sum3A_83 = vector.extract %reduce_sum3A_82[0, 0, 0] : f32 from vector<1x1x1xf32>
    %get3A_84 = arith.constant 4 : index
    %get3A_85 = arith.constant 0 : index
    %get3A_86 = arith.constant 0 : index
    %get3A_87 = vector.load %arg1[%get3A_84, %get3A_85, %get3A_86] : memref<7x8x128xf32, #tpu.memory_space<vmem>>, vector<1x8x128xf32>
    %get3A_88 = vector.shape_cast %get3A_87 : vector<1x8x128xf32> to vector<8x128xf32>
    %reduce_sum3A_89 = vector.shape_cast %get3A_88 : vector<8x128xf32> to vector<1x8x128xf32>
    %reduce_sum3A_90 = arith.constant dense<0.000000e+00> : vector<1xf32>
    %reduce_sum3A_91 = vector.multi_reduction <add>, %reduce_sum3A_89, %reduce_sum3A_90 [1, 2] : vector<1x8x128xf32> to vector<1xf32>
    %reduce_sum3A_92 = vector.shape_cast %reduce_sum3A_91 : vector<1xf32> to vector<1x1x1xf32>
    %reduce_sum3A_93 = vector.extract %reduce_sum3A_92[0, 0, 0] : f32 from vector<1x1x1xf32>
    %add3A_94 = arith.addf %reduce_sum3A_83, %reduce_sum3A_93 : f32
    %slice3A_95 = vector.extract_strided_slice %get3A_2 {offsets = [0, 5, 0], sizes = [32, 1, 16], strides = [1, 1, 1]} : vector<32x8x16xf32> to vector<32x1x16xf32>
    %squeeze3A_96 = vector.shape_cast %slice3A_95 : vector<32x1x16xf32> to vector<32x16xf32>
    %reduce_sum3A_97 = vector.shape_cast %squeeze3A_96 : vector<32x16xf32> to vector<1x32x16xf32>
    %reduce_sum3A_98 = arith.constant dense<0.000000e+00> : vector<1xf32>
    %reduce_sum3A_99 = vector.multi_reduction <add>, %reduce_sum3A_97, %reduce_sum3A_98 [1, 2] : vector<1x32x16xf32> to vector<1xf32>
    %reduce_sum3A_100 = vector.shape_cast %reduce_sum3A_99 : vector<1xf32> to vector<1x1x1xf32>
    %reduce_sum3A_101 = vector.extract %reduce_sum3A_100[0, 0, 0] : f32 from vector<1x1x1xf32>
    %get3A_102 = arith.constant 5 : index
    %get3A_103 = arith.constant 0 : index
    %get3A_104 = arith.constant 0 : index
    %get3A_105 = vector.load %arg1[%get3A_102, %get3A_103, %get3A_104] : memref<7x8x128xf32, #tpu.memory_space<vmem>>, vector<1x8x128xf32>
    %get3A_106 = vector.shape_cast %get3A_105 : vector<1x8x128xf32> to vector<8x128xf32>
    %reduce_sum3A_107 = vector.shape_cast %get3A_106 : vector<8x128xf32> to vector<1x8x128xf32>
    %reduce_sum3A_108 = arith.constant dense<0.000000e+00> : vector<1xf32>
    %reduce_sum3A_109 = vector.multi_reduction <add>, %reduce_sum3A_107, %reduce_sum3A_108 [1, 2] : vector<1x8x128xf32> to vector<1xf32>
    %reduce_sum3A_110 = vector.shape_cast %reduce_sum3A_109 : vector<1xf32> to vector<1x1x1xf32>
    %reduce_sum3A_111 = vector.extract %reduce_sum3A_110[0, 0, 0] : f32 from vector<1x1x1xf32>
    %add3A_112 = arith.addf %reduce_sum3A_101, %reduce_sum3A_111 : f32
    %slice3A_113 = vector.extract_strided_slice %get3A_2 {offsets = [0, 6, 0], sizes = [32, 1, 16], strides = [1, 1, 1]} : vector<32x8x16xf32> to vector<32x1x16xf32>
    %squeeze3A_114 = vector.shape_cast %slice3A_113 : vector<32x1x16xf32> to vector<32x16xf32>
    %reduce_sum3A_115 = vector.shape_cast %squeeze3A_114 : vector<32x16xf32> to vector<1x32x16xf32>
    %reduce_sum3A_116 = arith.constant dense<0.000000e+00> : vector<1xf32>
    %reduce_sum3A_117 = vector.multi_reduction <add>, %reduce_sum3A_115, %reduce_sum3A_116 [1, 2] : vector<1x32x16xf32> to vector<1xf32>
    %reduce_sum3A_118 = vector.shape_cast %reduce_sum3A_117 : vector<1xf32> to vector<1x1x1xf32>
    %reduce_sum3A_119 = vector.extract %reduce_sum3A_118[0, 0, 0] : f32 from vector<1x1x1xf32>
    %get3A_120 = arith.constant 6 : index
    %get3A_121 = arith.constant 0 : index
    %get3A_122 = arith.constant 0 : index
    %get3A_123 = vector.load %arg1[%get3A_120, %get3A_121, %get3A_122] : memref<7x8x128xf32, #tpu.memory_space<vmem>>, vector<1x8x128xf32>
    %get3A_124 = vector.shape_cast %get3A_123 : vector<1x8x128xf32> to vector<8x128xf32>
    %reduce_sum3A_125 = vector.shape_cast %get3A_124 : vector<8x128xf32> to vector<1x8x128xf32>
    %reduce_sum3A_126 = arith.constant dense<0.000000e+00> : vector<1xf32>
    %reduce_sum3A_127 = vector.multi_reduction <add>, %reduce_sum3A_125, %reduce_sum3A_126 [1, 2] : vector<1x8x128xf32> to vector<1xf32>
    %reduce_sum3A_128 = vector.shape_cast %reduce_sum3A_127 : vector<1xf32> to vector<1x1x1xf32>
    %reduce_sum3A_129 = vector.extract %reduce_sum3A_128[0, 0, 0] : f32 from vector<1x1x1xf32>
    %add3A_130 = arith.addf %reduce_sum3A_119, %reduce_sum3A_129 : f32
    %mul3A_131 = arith.constant 5.000000e-01 : f32
    %mul3A_132 = arith.mulf %mul3A_131, %add3A_130 : f32
    %sub3A_133 = arith.constant 0x4B000000 : f32
    %sub3A_134 = arith.subf %sub3A_133, %mul3A_132 : f32
    %max3A_135 = arith.constant 1.000000e+00 : f32
    %max3A_136 = arith.maximumf %mul3A_132, %max3A_135 : f32
    %div3A = arith.divf %sub3A_134, %max3A_136 : f32
    %sub3A_137 = arith.constant 1.000000e+00 : f32
    %sub3A_138 = arith.subf %div3A, %sub3A_137 : f32
    %mul3A_139 = arith.mulf %sub3A_138, %add3A_112 : f32
    %add3A_140 = arith.addf %add3A_76, %mul3A_139 : f32
    %neg3A = arith.constant 0.000000e+00 : f32
    %neg3A_141 = arith.subf %neg3A, %add3A_140 : f32
    %mul3A_142 = arith.mulf %sub3A_138, %add3A_94 : f32
    %add3A_143 = arith.addf %add3A_58, %mul3A_142 : f32
    %mul3A_144 = arith.mulf %add3A_40, %add3A_143 : f32
    %add3A_145 = arith.addf %neg3A_141, %mul3A_144 : f32
    %swap3A = memref.load %arg2[] : memref<f32, #tpu.memory_space<smem>>
    memref.store %add3A_145, %arg2[] : memref<f32, #tpu.memory_space<smem>>
    return
  }
}

</mosaic_0001>

<sc_bundles>
// kernel: kernel.5.cloned.1.call-start
scs
__scs_entry_jumppad:
0x0: {  	(pc) =	sbr.rel $0x88, $3  }
0x1: {  	(tag) =	ssettag $0x0;
	lr =	simm.s32 $0x1  }
0x2: {  	[smem:$0x3F9F] =	sst lr;
	_ =	strace $0xD0000000  }
0x3: {  	_ = 	snop  }
0x4: {  	_ = 	snop  }
0x5: {  	_ = 	snop  }
0x6: {  	_ = 	snop  }
0x7: {  	_ = 	snop  }
__scs_overlays_trampoline_lowered:
0x8: {  	[smem:$0x3FAE] =	sst s0  }
0x9: {  	[smem:$0x3FAF] =	sst s1  }
0xa: {  	[smem:$0x3FB0] =	sst s2  }
0xb: {  	[smem:$0x3FB1] =	sst s3  }
0xc: {  	[smem:$0x3FB2] =	sst s4  }
0xd: {  	[smem:$0x3FB3] =	sst s5  }
0xe: {  	[smem:$0x3FB4] =	sst s6  }
0xf: {  	[smem:$0x3FB5] =	sst s7  }
0x10: {  	[smem:$0x3FB6] =	sst s8  }
0x11: {  	[smem:$0x3FB7] =	sst s9;
	s0 =	simm.s32 @!p0 $0x0  }
0x12: {  	s1 =	sld [smem:$0x3F9D];
	s0 =	simm.s32 @p0 $0x1  }
0x13: {  	[smem:$0x3FB8] =	sst s0;
	s0 =	simm.s32 @!p1 $0x0  }
0x14: {  	s2 =	sld [smem:$0x3F9C];
	s0 =	simm.s32 @p1 $0x1  }
0x15: {  	[smem:$0x3FB9] =	sst s0;
	s0 =	simm.s32 @!p2 $0x0  }
0x16: {  	s3 =	sld [smem:$0x3FDB];
	s0 =	simm.s32 @p2 $0x1  }
0x17: {  	s4 =	simm.s32 $0x1BF5;
	[smem:$0x3FBB] =	sst s0  }
0x18: {  	s0 =	sld [smem:$0x3F9E];
	_ =	swait.ge [sflag:s4], $0x0  }
0x19: {  	s7 =	sld [smem:$0x3F9F]  }
0x1a: {  	s8 =	sadd.s32 $0xFFFFE003, lr  }
0x1b: {  	s9 =	sadd.s32 $0xFFFFFEF7, lr;
	s5 =	simm.s32 $0xFFFFFFFF;
	p2 =	slt.u32 s8, $0xFFFFF086  }
0x1c: {  	p1 =	slt.u32 s9, $0xF7A;
	s5 =	simm.s32 @!p2 $0x0  }
0x1d: {  	s5 =	simm.s32 @p1 $0x1;
	p0 =	seq.s32 s7, s2  }
0x1e: {  	s7 =	smul.u32 @!p0 $0xF7A, s2;
	p2 =	seq.s32 @!p0 s5, $0x0  }
0x1f: {  	s9 =	smul.u32 $0xF7A, s1;
	s8 =	simm.s32 @!p0 $0x1BF5;
	p2 =	por !p2, p0  }
0x20: {  	[sflag:s8] =	ssyncset.s32 @!p0 $0xFFFFF086;
	s6 =	sadd.s32 @!p0 s3, s7;
	s7 =	simm.s32 @!p0 $0x108  }
0x21: {  	s3 =	sadd.s32 s3, s9;
	s6 =	sadd.s32 @!p0 $0x88, s6;
	s7 =	simm.s32 @p2 $0x1082  }
0x22: {  	[simem:s7], [sflag:s8] =	dma.local @!p0 [hbm:s6], $0xF7A  }
0x23: {  	s9 =	sor.u32 $0xD0000000, s2;
	s6 =	simm.s32 $0x108;
	_ =	swait.ge @!p0 [sflag:s8], $0x0  }
0x24: {  	s3 =	sadd.s32 $0x88, s3;
	s6 =	simm.s32 @!p1 $0x1082;
	[sflag:s4] =	ssyncset.s32 $0xFFFFF086  }
0x25: {  	[simem:s6], [sflag:s4] =	dma.local [hbm:s3], $0xF7A  }
0x26: {  	[smem:$0x3F9F] =	sst s1;
	(tag) =	ssettag s2;
	_ =	strace s9  }
0x27: {  	s1 =	sld [smem:$0x3FAF]  }
0x28: {  	s2 =	sld [smem:$0x3FB0]  }
0x29: {  	s4 =	sld [smem:$0x3FB2]  }
0x2a: {  	p0 =	seq.s32 s5, $0x0;
	s5 =	sld [smem:$0x3FB3]  }
0x2b: {  	s6 =	sld [smem:$0x3FB4]  }
0x2c: {  	s7 =	sld [smem:$0x3FB5]  }
0x2d: {  	s3 =	simm.s32 $0x108;
	s8 =	sld [smem:$0x3FB6]  }
0x2e: {  	s3 =	simm.s32 @!p0 $0x1082;
	s9 =	sld [smem:$0x3FB7]  }
0x2f: {  	lr =	sadd.s32 s0, s3;
	s0 =	sld [smem:$0x3FAE]  }
0x30: {  	s3 =	sld [smem:$0x3FB1]  }
0x31: {  	[smem:$0x3FBA] =	sst s10  }
0x32: {  	s10 =	sld [smem:$0x3FB8];
	_ =	sdelay $0x3  }
0x33: {  	p0 =	seq.s32 s10, $0x1;
	s10 =	sld [smem:$0x3FBA];
	_ =	sdelay $0x3  }
0x34: {  	[smem:$0x3FBA] =	sst s10  }
0x35: {  	s10 =	sld [smem:$0x3FB9];
	_ =	sdelay $0x3  }
0x36: {  	p1 =	seq.s32 s10, $0x1;
	s10 =	sld [smem:$0x3FBA];
	_ =	sdelay $0x3  }
0x37: {  	[smem:$0x3FBA] =	sst s10  }
0x38: {  	s10 =	sld [smem:$0x3FBB]  }
0x39: {  	_ = 	snop;
	(pc) =	sbr.ind lr, $3  }
0x3a: {  	_ = 	snop  }
0x3b: {  	_ = 	snop  }
0x3c: {  	p2 =	seq.s32 s10, $0x1;
	s10 =	sld [smem:$0x3FBA]  }
0x3d: {  	_ =	shalt  }
0x3e: {  	_ =	shalt  }
0x3f: {  	_ =	shalt  }
0x40: {  	_ =	shalt  }
0x41: {  	_ =	shalt  }
0x42: {  	_ =	shalt  }
0x43: {  	_ =	shalt  }
0x44: {  	_ =	shalt  }
0x45: {  	_ =	shalt  }
0x46: {  	_ =	shalt  }
0x47: {  	_ =	shalt  }
0x48: {  	_ =	shalt  }
0x49: {  	_ =	shalt  }
0x4a: {  	_ =	shalt  }
0x4b: {  	_ =	shalt  }
0x4c: {  	_ =	shalt  }
0x4d: {  	_ =	shalt  }
0x4e: {  	_ =	shalt  }
0x4f: {  	_ =	shalt  }
0x50: {  	_ =	shalt  }
0x51: {  	_ =	shalt  }
0x52: {  	_ =	shalt  }
0x53: {  	_ =	shalt  }
0x54: {  	_ =	shalt  }
0x55: {  	_ =	shalt  }
0x56: {  	_ =	shalt  }
0x57: {  	_ =	shalt  }
0x58: {  	_ =	shalt  }
0x59: {  	_ =	shalt  }
0x5a: {  	_ =	shalt  }
0x5b: {  	_ =	shalt  }
0x5c: {  	_ =	shalt  }
0x5d: {  	_ =	shalt  }
0x5e: {  	_ =	shalt  }
0x5f: {  	_ =	shalt  }
0x60: {  	_ =	shalt  }
0x61: {  	_ =	shalt  }
0x62: {  	_ =	shalt  }
0x63: {  	_ =	shalt  }
0x64: {  	_ =	shalt  }
0x65: {  	_ =	shalt  }
0x66: {  	_ =	shalt  }
0x67: {  	_ =	shalt  }
0x68: {  	_ =	shalt  }
0x69: {  	_ =	shalt  }
0x6a: {  	_ =	shalt  }
0x6b: {  	_ =	shalt  }
0x6c: {  	_ =	shalt  }
0x6d: {  	_ =	shalt  }
0x6e: {  	_ =	shalt  }
0x6f: {  	_ =	shalt  }
0x70: {  	_ =	shalt  }
0x71: {  	_ =	shalt  }
0x72: {  	_ =	shalt  }
0x73: {  	_ =	shalt  }
0x74: {  	_ =	shalt  }
0x75: {  	_ =	shalt  }
0x76: {  	_ =	shalt  }
0x77: {  	_ =	shalt  }
0x78: {  	_ =	shalt  }
0x79: {  	_ =	shalt  }
0x7a: {  	_ =	shalt  }
0x7b: {  	_ =	shalt  }
0x7c: {  	_ =	shalt  }
0x7d: {  	_ =	shalt  }
0x7e: {  	_ =	shalt  }
0x7f: {  	_ =	shalt  }
0x80: {  	_ =	shalt  }
0x81: {  	_ =	shalt  }
0x82: {  	_ =	shalt  }
0x83: {  	_ =	shalt  }
0x84: {  	_ =	shalt  }
0x85: {  	_ =	shalt  }
0x86: {  	_ =	shalt  }
0x87: {  	_ =	shalt  }
.Lfunc_end0:
.L_simem_size_0:
called_computation_lowered:
.L_overlay_start_0:
0x88: {  	s2 =	sld [smem:$0x3FD9]  }
0x89: {  	s3 =	sld [smem:$0x3FFE];
	_ =	sdelay $0x1  }
0x8a: {  	s1 =	srdreg.scid  }
0x8b: {  	s0 =	sand.u32 $0x1, s1  }
0x8c: {  	s17 =	sshll.u32 s0, $0xA;
	s2 =	sadd.s32 s3, s2  }
0x8d: {  	s2 =	sadd.s32 s2, s17  }
0x8e: {  	[smem:$0x3FC6] =	sst s2  }
0x8f: {  	_ = 	snop  }
0x90: {  	s2 =	sld [smem:$0x3FC9]  }
0x91: {  	s18 =	sld [smem:$0x3FC8];
	(tm) =	ssettm $0x1  }
0x92: {  	s4 =	sld [smem:$0x3FFB];
	_ =	sdelay $0x3  }
0x93: {  	_ =	strace s4  }
0x94: {  	s4 =	sld [smem:$0x3FFC];
	_ =	sdelay $0x3  }
0x95: {  	_ =	strace s4  }
0x96: {  	s4 =	sld [smem:$0x3FFD];
	_ =	sdelay $0x3  }
0x97: {  	_ =	strace s4  }
0x98: {  	_ =	strace $0x8FFFFFFF  }
0x99: {  	s19 =	sld [smem:$0x3FDB];
	_ =	sdelay $0x1  }
0x9a: {  	s5 =	simm.s32 $_scs_section_size  }
0x9b: {  	s6 =	simm.s32 $_size__tile_overlayer_lowered;
	s7 =	simm.s32 $_tile_overlayer_lowered  }
0x9c: {  	s22 =	simm.s32 $0x1BFF;
	s21 =	sshll.u32 s7, $0x1;
	s4 =	sadd.s32 s5, s19  }
0x9d: {  	s8 =	simm.s32 $0x0;
	s20 =	sshll.u32 s6, $0x1;
	s6 =	sadd.s32 s21, s4  }
0x9e: {  	[timem:s8], [sflag:s22] =	dma.local [hbm:s6], s20  }
0x9f: {  	_ =	swait.ge [sflag:s22], s20  }
0xa0: {  	s5 =	ssub.s32 $0x0, s20;
	[sflag:s22] =	ssyncset.done $0x0  }
0xa1: {  	[sflag:s22] =	ssyncadd.s32 s5;
	_ =	sdelay $0x1  }
0xa2: {  	s23 =	simm.s32 $0x1B8B  }
0xa3: {  	_ =	swait.ge [sflag:s23], $0x1  }
0xa4: {  	[sflag:s23] =	ssyncset.done $0x0  }
0xa5: {  	s25 =	simm.s32 $0x1B8E;
	s24 =	sld [smem:$0x3FFE];
	[sflag:s23] =	ssyncadd.s32 $0xFFFFFFFF  }
0xa6: {  	s26 =	simm.s32 $execute0_lowered;
	[smem:$0x3FD2] =	sst s25  }
0xa7: {  	s6 =	sshll.u32 s26, $0x1;
	_ =	strace $0x80000046;
	[dreg:$0x1] =	wrdreg $0xFFFFFFFF  }
0xa8: {  	s28 =	simm.s32 $_size_execute0_lowered;
	s4 =	sadd.s32 s4, s6;
	[dreg:$0x0] =	wrdreg $0x0  }
0xa9: {  	s6 =	sshll.u32 s28, $0x1;
	[dreg:$0x2] =	wrdreg s4  }
0xaa: {  	[dreg:$0x3] =	wrdreg s6  }
0xab: {  	[dreg:$0x4] =	wrdreg $0xC0  }
0xac: {  	_ =	task [dreg:s8], $0x5FFFF  }
0xad: {  	[dreg:$0x1] =	wrdreg $0xFFFFFFFF  }
0xae: {  	[dreg:$0x0] =	wrdreg $0x60  }
0xaf: {  	[dreg:$0x2] =	wrdreg s2  }
0xb0: {  	[dreg:$0x3] =	wrdreg s18  }
0xb1: {  	[dreg:$0x4] =	wrdreg s24  }
0xb2: {  	[dreg:$0x5] =	wrdreg $0x9  }
0xb3: {  	_ =	task.clear_ibuf [dreg:s8], $0x6FFFF;
	_ =	strace $0x90000046  }
0xb4: {  	s29 =	simm.s32 $0x9;
	_ =	strace $0x80000048  }
0xb5: {  	_ =	swait.ge [sflag:s29], $0x1  }
0xb6: {  	[sflag:s29] =	ssyncadd.s32 $0xFFFFFFFF  }
0xb7: {  	_ =	strace $0x90000048  }
0xb8: {  	_ =	sfence  }
0xb9: {  	s30 =	sld [smem:$0x0];
	_ =	sdelay $0x2  }
0xba: {  	s31 =	sshll.u32 s1, $0xD;
	s1 =	sshrl.u32 s1, $0x2  }
0xbb: {  	s3 =	sand.u32 $0x4000, s31;
	s1 =	sadd.s32 s1, s30  }
0xbc: {  	s0 =	sor.u32 s3, s0;
	s1 =	sshll.u32 s1, $0x11  }
0xbd: {  	s0 =	sor.u32 s1, s0  }
0xbe: {  	s0 =	sadd.s32 $0x8F2B, s0  }
0xbf: {  	[sflag:s0] =	ssyncadd.remote.s32 $0x1  }
0xc0: {  	_ =	sfence.sel $0xFFFF  }
0xc1: {  	[dreg:$0x0] =	wrdreg $0xFFFFFFFF;
	(pc) =	sbr.abs _section_cstart, $3  }
0xc2: {  	[dreg:$0x1] =	wrdreg $0xFFFFFFFF  }
0xc3: {  	_ =	task.clear_ibuf [dreg:s8], $0x2FFFF;
	_ =	strace $0x9FFFFFFF  }
0xc4: {  	(tm) =	ssettm $0x7FFFFFFF  }
0xc5: {  	_ =	shalt  }
tec
execute0_lowered:
.L_overlay_start_1:
0x0: {  	(tag) =	ssettag $0x1  }
0x1: {  	s1 =	rddreg [dreg:$0x0]  }
0x2: {  	s3 =	rddreg [dreg:$0x1];
	s2 =	srdreg.scid  }
0x3: {  	s0 =	stileid.u32;
	s5 =	rddreg [dreg:$0x2];
	s4 =	simm.s32 $0x0  }
0x4: {  	s11 =	simm.s32 $0x2000;
	s12 =	simm.s32 $0x4000;
	s13 =	simm.s32 $0x6000  }
0x5: {  	s14 =	simm.s32 $0x1;
	s15 =	simm.s32 $0x2;
	s16 =	simm.s32 $0x8000  }
0x6: {  	s17 =	simm.s32 $0x3;
	s6 =	sand.u32 $0x1, s2;
	s7 =	sshll.u32 s0, $0x1  }
0x7: {  	s18 =	simm.s32 $0x0;
	s2 =	rddreg [dreg:$0x3];
	s7 =	sor.u32 s6, s7  }
0x8: {  	[smem:$0x7FF] =	sst s4;
	s6 =	ssub.s32 $0x2, s6;
	s8 =	smul.u32 $0x14000, s7  }
0x9: {  	_ =	strace $0x80000047;
	s7 =	sshll.u32 s7, $0x7;
	s30 =	sshrl.u32 s6, $0x1  }
0xa: {  	s9 =	sadd.s32 s7, s5;
	s10 =	ssub.s32 s6, s30;
	s31 =	sshrl.u32 s8, $0x3  }
0xb: {  	s7 =	sor.u32 $0x2000, s8;
	s8 =	sadd.s32 $0x4000, s8;
	s9 =	sadd.s32 $0x600, s9  }
0xc: {  	v0 =	vimm.f32 $0.0e+00;
	v1 =	vimm.f32 $-1.000000020e+30;
	s10 =	smax.u32 s10, $0x1;
	s5 =	sadd.s32 s1, s31;
	s6 =	sadd.s32 s3, s31  }
.LBB2_1:
0xd: {  	[tilespmem:s4], [sflag:$0x1] =	stream.linear.gather [hbm4b:s5+s4], $0x2000, $0x38;
	v3 =	vimm.f32 $0.0e+00;
	[tilespmem:$0x8400] =	vst v63  }
0xe: {  	v6 =	vimm.f32 $0.0e+00;
	v7 =	vimm.f32 $0.0e+00;
	v8 =	vimm.f32 $0.0e+00;
	s19 =	simm.s32 $0x0  }
0xf: {  	v5 =	vimm.f32 $0.0e+00;
	v4 =	vimm.f32 $0.0e+00;
	v2 =	vimm.f32 $-1.000000020e+30;
	[tilespmem:s11], [sflag:$0x1] =	stream.linear.gather [hbm4b:s6+s4], $0x2000, $0x38;
	[tilespmem:$0x8400] =	vst v63  }
.LBB2_2:
0x10: {  	s20 =	sshll.u32 s19, $0xE  }
0x11: {  	s21 =	sadd.s32 s20, s7  }
0x12: {  	s21 =	sshrl.u32 s21, $0x3  }
0x13: {  	s22 =	sadd.s32 s1, s21  }
0x14: {  	[tilespmem:s12], [sflag:$0x2] =	stream.linear.gather [hbm4b:s22+s4], $0x2000, $0x38;
	[tilespmem:$0x8400] =	vst v63  }
0x15: {  	s21 =	sadd.s32 s3, s21  }
0x16: {  	[tilespmem:s13], [sflag:$0x2] =	stream.linear.gather [hbm4b:s21+s4], $0x2000, $0x38;
	[tilespmem:$0x8400] =	vst v63  }
0x17: {  	_ =	swait.ge [sflag:s14], $0x2000  }
0x18: {  	[sflag:s14] =	ssyncset.done $0x0  }
0x19: {  	[sflag:s14] =	ssyncadd.s32 $0xFFFFE000  }
0x1a: {  	_ =	swait.ge [sflag:s14], $0x2000  }
0x1b: {  	[sflag:s14] =	ssyncset.done $0x0  }
0x1c: {  	s28 =	simm.s32 $0x20;
	[sflag:s14] =	ssyncadd.s32 $0xFFFFE000  }
0x1d: {  	v9 =	vld [tilespmem:s28+$0xFFFFFFE0];
	_ =	sdelay $0x4  }
0x1e: {  	v10 =	vld [tilespmem:s28+$0xFFFFFFF0];
	v12 =	vsub.f32 $0.0e+00, v9;
	_ =	sdelay $0x1  }
0x1f: {  	v11 =	vld [tilespmem:s28+$0x0];
	v12 =	vmul.f32 $1.442695020e+00, v12;
	_ =	sdelay $0x1  }
0x20: {  	v13 =	vld [tilespmem:s28+$0x10];
	(erf) = vpow2.f32 v12  }
0x21: {  	s29 =	simm.s32 $0x2020;
	v14 =	vsub.f32 $0.0e+00, v10  }
0x22: {  	v15 =	vld [tilespmem:s29+$0xFFFFFFE0]  }
0x23: {  	v14 =	vmul.f32 $1.442695020e+00, v14;
	v12 =	vsub.f32 $0.0e+00, v11;
	_ =	sdelay $0x1  }
0x24: {  	v17 =	vld [tilespmem:s29+$0xFFFFFFF0];
	v16 =	vsub.f32 $0.0e+00, v13;
	(erf) = vpow2.f32 v14;
	v12 =	vmul.f32 $1.442695020e+00, v12  }
0x25: {  	v18 =	vld [tilespmem:s29+$0x10]  }
0x26: {  	vm0 =	vgt.f32 v15, v9;
	v14 =	vld [tilespmem:s29+$0x0];
	(erf) = vpow2.f32 v12;
	v12 =	vmul.f32 $1.442695020e+00, v16  }
0x27: {  	v20 =	vnsel vm0, $0x0, v15;
	v16 =	vmax.f32 v1, v9  }
0x28: {  	(erf) = vpow2.f32 v12;
	v12 =	vmax.f32 v16, v10;
	v16 =	vmul.f32 v15, v9;
	v9 =	vpop (erf)  }
0x29: {  	vm1 =	vgt.f32 v17, v10;
	v7 =	vadd.f32 v20, v7;
	v9 =	vadd.f32 $1.000000000e+00, v9  }
0x2a: {  	v5 =	vadd.f32 v15, v5;
	vm2 =	vgt.f32 v18, v13;
	v22 =	vnsel vm1, $0x0, v17  }
0x2b: {  	v7 =	vadd.f32 v22, v7;
	v20 =	vmul.f32 v14, v11;
	v19 =	vnsel vm0, $0x0, v16  }
0x2c: {  	v8 =	vadd.f32 v16, v8;
	v6 =	vadd.f32 v19, v6;
	v19 =	vmul.f32 v17, v10  }
0x2d: {  	s30 =	simm.s32 $0x60;
	v12 =	vmax.f32 v12, v11;
	vm0 =	vgt.f32 v14, v11;
	(erf) = vrcp.f32 v9;
	v9 =	vpop (erf)  }
0x2e: {  	v22 =	vld [tilespmem:s30+$0xFFFFFFF0];
	v11 =	vnsel vm1, $0x0, v19;
	v8 =	vadd.f32 v19, v8;
	v9 =	vadd.f32 $1.000000000e+00, v9  }
0x2f: {  	v5 =	vadd.f32 v17, v5;
	v10 =	vmul.f32 v18, v13;
	v6 =	vadd.f32 v11, v6;
	v21 =	vpop (erf)  }
0x30: {  	v11 =	vnsel vm0, $0x0, v14;
	v8 =	vadd.f32 v20, v8;
	v21 =	vadd.f32 $1.000000000e+00, v21  }
0x31: {  	v16 =	vld [tilespmem:s30+$0xFFFFFFE0];
	v23 =	vnsel vm0, $0x0, v20;
	v7 =	vadd.f32 v11, v7;
	(erf) = vrcp.f32 v9  }
0x32: {  	v19 =	vld [tilespmem:s30+$0x0];
	v6 =	vadd.f32 v23, v6;
	v23 =	vadd.f32 v10, v8;
	v9 =	vpop (erf);
	(erf) = vrcp.f32 v21  }
0x33: {  	v21 =	vnsel vm2, $0x0, v10;
	v10 =	vsub.f32 $0.0e+00, v22;
	v9 =	vadd.f32 $1.000000000e+00, v9  }
0x34: {  	s31 =	simm.s32 $0x2060;
	v5 =	vadd.f32 v14, v5;
	v11 =	vmax.f32 v12, v13;
	v21 =	vadd.f32 v21, v6  }
0x35: {  	v6 =	vld [tilespmem:s31+$0xFFFFFFE0];
	v25 =	vmul.f32 $1.442695020e+00, v10;
	(erf) = vrcp.f32 v9;
	v9 =	vnsel vm2, $0x0, v18  }
0x36: {  	v10 =	vld [tilespmem:s31+$0xFFFFFFF0];
	v12 =	vadd.f32 v9, v7;
	v7 =	vpop (erf);
	v9 =	vmax.f32 v11, v16;
	v11 =	vsub.f32 $0.0e+00, v16  }
0x37: {  	v13 =	vsub.f32 $0.0e+00, v19;
	v15 =	vsub.f32 v7, v15;
	v7 =	vmax.f32 v9, v22;
	v9 =	vld [tilespmem:s30+$0x10]  }
0x38: {  	v8 =	vmul.f32 $1.442695020e+00, v11  }
0x39: {  	v5 =	vadd.f32 v18, v5;
	v26 =	vmul.f32 $1.442695020e+00, v13  }
0x3a: {  	v11 =	vmax.f32 v7, v19;
	v24 =	vmul.f32 v6, v16;
	(erf) = vpow2.f32 v8  }
0x3b: {  	vm0 =	vgt.f32 v6, v16;
	v13 =	vadd.f32 v6, v5;
	v15 =	vand.u32 $0x7FFFFFFF, v15  }
0x3c: {  	v7 =	vld [tilespmem:s31+$0x0];
	v20 =	vpop (erf);
	vm2 =	vgt.f32 v10, v22;
	(erf) = vpow2.f32 v25;
	v27 =	vsub.f32 $0.0e+00, v9  }
0x3d: {  	v8 =	vnsel vm0, $0x0, v24;
	v16 =	vpop (erf);
	v25 =	vnsel vm0, $0x0, v6;
	(erf) = vpow2.f32 v26  }
0x3e: {  	v17 =	vsub.f32 v20, v17;
	v25 =	vadd.f32 v25, v12;
	v12 =	vmul.f32 $1.442695020e+00, v27  }
0x3f: {  	vm1 =	vle.f32 v15, $1.000000950e+00;
	v21 =	vadd.f32 v8, v21;
	v8 =	vmul.f32 v10, v22  }
0x40: {  	v5 =	vld [tilespmem:s31+$0x10];
	v28 =	vnsel vm2, $0x0, v10;
	v14 =	vsub.f32 v16, v14;
	v16 =	vpop (erf);
	(erf) = vpow2.f32 v12  }
0x41: {  	v20 =	vand.u32 $0x7FFFFFFF, v17;
	vm0 =	vgt.f32 v7, v19;
	v22 =	vnsel vm2, $0x0, v8  }
0x42: {  	vm2 =	vle.f32 v20, $1.000000950e+00;
	v16 =	vsub.f32 v16, v18;
	v18 =	vand.u32 $0x7FFFFFFF, v14  }
0x43: {  	v21 =	vadd.f32 v22, v21;
	v22 =	vadd.f32 v24, v23;
	v24 =	vsel vm2, $0x3F800000, v0;
	v15 =	vpop (erf)  }
0x44: {  	v14 =	vmul.f32 v7, v19;
	v19 =	vsel vm1, $0x3F800000, v0;
	v27 =	vadd.f32 $1.000000000e+00, v15  }
0x45: {  	vm1 =	vgt.f32 v5, v9;
	v12 =	vmul.f32 v5, v9;
	vm3 =	vle.f32 v18, $1.000000950e+00;
	v18 =	vpop (erf)  }
0x46: {  	v20 =	vadd.f32 v19, v3;
	v29 =	vadd.f32 $1.000000000e+00, v18;
	v18 =	vpop (erf);
	(erf) = vrcp.f32 v27  }
0x47: {  	v19 =	vadd.f32 v28, v25;
	v3 =	vnsel vm1, $0x0, v5;
	v27 =	vadd.f32 $1.000000000e+00, v18  }
0x48: {  	v26 =	vand.u32 $0x7FFFFFFF, v16;
	v17 =	vnsel vm0, $0x0, v14;
	(erf) = vrcp.f32 v29  }
0x49: {  	v16 =	vsel vm3, $0x3F800000, v0;
	v15 =	vnsel vm0, $0x0, v7;
	(erf) = vrcp.f32 v27;
	v25 =	vpop (erf)  }
0x4a: {  	s23 =	simm.s32 $0xA0;
	s22 =	simm.s32 $0x20A0;
	s21 =	simm.s32 $0x4;
	vm0 =	vle.f32 v26, $1.000000950e+00;
	v18 =	vnsel vm1, $0x0, v12;
	v23 =	vadd.f32 $1.000000000e+00, v25  }
.LBB2_3:
0x4b: {  	v25 =	vld [tilespmem:s23+$0xFFFFFFE0];
	s21 =	sadd.s32 $0x4, s21;
	v17 =	vadd.f32 v17, v21;
	v9 =	vmax.f32 v11, v9;
	v11 =	vadd.f32 v24, v20  }
0x4c: {  	v21 =	vadd.f32 v15, v19;
	v20 =	vld [tilespmem:s23+$0xFFFFFFF0];
	p0 =	slt.u32 s21, $0x1FC;
	v8 =	vadd.f32 v8, v22;
	(erf) = vrcp.f32 v23  }
0x4d: {  	v19 =	vld [tilespmem:s23+$0x0];
	v17 =	vadd.f32 v18, v17;
	v11 =	vadd.f32 v16, v11  }
0x4e: {  	v13 =	vadd.f32 v10, v13;
	v16 =	vld [tilespmem:s22+$0xFFFFFFE0];
	v18 =	vadd.f32 v14, v8;
	v14 =	vsel vm0, $0x3F800000, v0  }
0x4f: {  	v3 =	vadd.f32 v3, v21;
	v15 =	vpop (erf);
	v21 =	vadd.f32 v14, v11  }
0x50: {  	v9 =	vmax.f32 v9, v25;
	v11 =	vsub.f32 $0.0e+00, v25;
	v14 =	vsub.f32 v15, v6  }
0x51: {  	v13 =	vadd.f32 v7, v13;
	v22 =	vadd.f32 v12, v18;
	v26 =	vmax.f32 v9, v20;
	v9 =	vld [tilespmem:s23+$0x10];
	v8 =	vpop (erf)  }
0x52: {  	v15 =	vsub.f32 $0.0e+00, v20;
	v12 =	vmul.f32 $1.442695020e+00, v11;
	v11 =	vmax.f32 v26, v19;
	v18 =	vpop (erf)  }
0x53: {  	v24 =	vsub.f32 $0.0e+00, v19;
	v23 =	vmul.f32 v16, v25;
	vm0 =	vgt.f32 v16, v25;
	v6 =	vmovc v16  }
0x54: {  	v15 =	vmul.f32 $1.442695020e+00, v15;
	(erf) = vpow2.f32 v12;
	v12 =	vadd.f32 v5, v13  }
0x55: {  	v18 =	vsub.f32 v18, v7;
	v24 =	vmul.f32 $1.442695020e+00, v24;
	v16 =	vnsel vm0, $0x0, v23;
	v7 =	vld [tilespmem:s22+$0x0];
	v25 =	vpop (erf)  }
0x56: {  	v13 =	vadd.f32 v6, v12;
	v12 =	vld [tilespmem:s22+$0xFFFFFFF0];
	v26 =	vsub.f32 $0.0e+00, v9;
	(erf) = vpow2.f32 v15  }
0x57: {  	v15 =	vnsel vm0, $0x0, v6;
	(erf) = vpow2.f32 v24;
	v24 =	vsub.f32 v25, v5;
	v5 =	vld [tilespmem:s22+$0x10]  }
0x58: {  	v18 =	vand.u32 $0x7FFFFFFF, v18;
	v3 =	vadd.f32 v15, v3;
	v15 =	vmul.f32 $1.442695020e+00, v26  }
0x59: {  	v25 =	vadd.f32 v16, v17;
	v16 =	vand.u32 $0x7FFFFFFF, v14;
	v17 =	vsub.f32 v8, v10  }
0x5a: {  	v24 =	vand.u32 $0x7FFFFFFF, v24;
	v14 =	vmul.f32 v7, v19;
	(erf) = vpow2.f32 v15  }
0x5b: {  	vm1 =	vle.f32 v16, $1.000000950e+00;
	vm0 =	vgt.f32 v7, v19;
	v8 =	vmul.f32 v12, v20;
	v10 =	vmovc v12  }
0x5c: {  	v19 =	vsel vm1, $0x3F800000, v0;
	vm2 =	vgt.f32 v10, v20;
	v12 =	vmul.f32 v5, v9  }
0x5d: {  	vm1 =	vgt.f32 v5, v9;
	v20 =	vand.u32 $0x7FFFFFFF, v17;
	v26 =	vnsel vm2, $0x0, v8;
	v15 =	vpop (erf)  }
0x5e: {  	vm3 =	vle.f32 v18, $1.000000950e+00;
	v27 =	vadd.f32 $1.000000000e+00, v15;
	v15 =	vnsel vm0, $0x0, v7  }
0x5f: {  	v16 =	vsel vm3, $0x3F800000, v0;
	v17 =	vnsel vm0, $0x0, v14;
	v28 =	vnsel vm2, $0x0, v10;
	v18 =	vpop (erf)  }
.Ltmp0:
0x60: {  	vm2 =	vle.f32 v20, $1.000000950e+00;
	v29 =	vadd.f32 $1.000000000e+00, v18;
	(erf) = vrcp.f32 v27;
	v18 =	vpop (erf);
	(pc) =	sbr.rel @p0 .LBB2_3-.Ltmp0, $4  }
0x61: {  	v20 =	vadd.f32 v19, v21;
	v27 =	vadd.f32 $1.000000000e+00, v18;
	v18 =	vnsel vm1, $0x0, v12  }
0x62: {  	v19 =	vadd.f32 v28, v3;
	v21 =	vadd.f32 v26, v25;
	(erf) = vrcp.f32 v29  }
0x63: {  	v3 =	vnsel vm1, $0x0, v5;
	vm0 =	vle.f32 v24, $1.000000950e+00;
	(erf) = vrcp.f32 v27;
	v25 =	vpop (erf)  }
0x64: {  	s23 =	sadd.s32 $0x40, s23;
	v22 =	vadd.f32 v23, v22;
	s22 =	sadd.s32 $0x40, s22;
	v24 =	vsel vm2, $0x3F800000, v0;
	v23 =	vadd.f32 $1.000000000e+00, v25  }
0x65: {  	v15 =	vadd.f32 v15, v19  }
0x66: {  	v17 =	vadd.f32 v17, v21;
	v20 =	vadd.f32 v24, v20;
	s21 =	simm.s32 $0x20  }
0x67: {  	v11 =	vmax.f32 v11, v9;
	v13 =	vadd.f32 v10, v13;
	(erf) = vrcp.f32 v23;
	v56 =	vld [tilespmem:s21+$0xFFFFFFE0]  }
0x68: {  	v55 =	vadd.f32 v8, v22;
	v9 =	vadd.f32 v3, v15;
	v3 =	vmax.f32 v2, v11;
	v11 =	vld [tilespmem:s21+$0xFFFFFFF0]  }
0x69: {  	v8 =	vadd.f32 v18, v17;
	v2 =	vsub.f32 v2, v3;
	v15 =	vpop (erf)  }
0x6a: {  	v57 =	vsel vm0, $0x3F800000, v0;
	v16 =	vadd.f32 v16, v20;
	v6 =	vsub.f32 v15, v6;
	v15 =	vld [tilespmem:s21+$0x0]  }
0x6b: {  	v13 =	vadd.f32 v7, v13;
	v14 =	vadd.f32 v14, v55;
	v2 =	vmul.f32 $1.442695020e+00, v2  }
0x6c: {  	v16 =	vadd.f32 v57, v16;
	v58 =	vpop (erf);
	v17 =	vsub.f32 v56, v3;
	v6 =	vand.u32 $0x7FFFFFFF, v6  }
0x6d: {  	v59 =	vpop (erf);
	v10 =	vsub.f32 v58, v10;
	(erf) = vpow2.f32 v2;
	v2 =	vsub.f32 v11, v3  }
0x6e: {  	v7 =	vsub.f32 v59, v7;
	vm12 =	vle.f32 v6, $1.000000950e+00;
	v11 =	vmul.f32 $1.442695020e+00, v17  }
0x6f: {  	s31 =	simm.s32 $0x60;
	v61 =	vld [tilespmem:s21+$0x10];
	v10 =	vand.u32 $0x7FFFFFFF, v10;
	v2 =	vmul.f32 $1.442695020e+00, v2;
	v15 =	vsub.f32 v15, v3  }
0x70: {  	v6 =	vpop (erf);
	(erf) = vpow2.f32 v11;
	vm13 =	vle.f32 v10, $1.000000950e+00;
	v10 =	vld [tilespmem:s31+$0xFFFFFFE0];
	v7 =	vand.u32 $0x7FFFFFFF, v7  }
0x71: {  	v60 =	vsub.f32 v6, v5;
	v6 =	vsel vm12, $0x3F800000, v0;
	v11 =	vmul.f32 $1.442695020e+00, v15  }
0x72: {  	v62 =	vld [tilespmem:s31+$0xFFFFFFF0];
	(erf) = vpow2.f32 v2;
	vm14 =	vle.f32 v7, $1.000000950e+00;
	v6 =	vadd.f32 v6, v16  }
0x73: {  	v15 =	vsel vm13, $0x3F800000, v0;
	(erf) = vpow2.f32 v11;
	v11 =	vand.u32 $0x7FFFFFFF, v60  }
0x74: {  	v7 =	vld [tilespmem:s31+$0x0];
	v2 =	vadd.f32 v15, v6;
	vm15 =	vle.f32 v11, $1.000000950e+00;
	v11 =	vsub.f32 v61, v3  }
0x75: {  	v6 =	vadd.f32 v12, v14;
	v12 =	vsel vm14, $0x3F800000, v0;
	v10 =	vsub.f32 v10, v3  }
0x76: {  	v2 =	vadd.f32 v12, v2;
	v12 =	vsel vm15, $0x3F800000, v0;
	v11 =	vmul.f32 $1.442695020e+00, v11  }
0x77: {  	s22 =	simm.s32 $0xA0;
	v14 =	vld [tilespmem:s31+$0x10];
	v15 =	vsub.f32 v62, v3  }
0x78: {  	v5 =	vadd.f32 v5, v13;
	v13 =	vld [tilespmem:s22+$0xFFFFFFE0];
	v10 =	vmul.f32 $1.442695020e+00, v10;
	(erf) = vpow2.f32 v11  }
0x79: {  	v7 =	vsub.f32 v7, v3;
	v2 =	vadd.f32 v12, v2;
	v12 =	vpop (erf);
	v11 =	vmul.f32 $1.442695020e+00, v15  }
0x7a: {  	v63 =	vld [tilespmem:s22+$0xFFFFFFF0];
	v4 =	vmul.f32 v12, v4;
	(erf) = vpow2.f32 v10  }
0x7b: {  	v7 =	vmul.f32 $1.442695020e+00, v7;
	v12 =	vpop (erf)  }
0x7c: {  	v14 =	vsub.f32 v14, v3;
	v10 =	vld [tilespmem:s22+$0x0];
	(erf) = vpow2.f32 v11;
	v4 =	vadd.f32 v12, v4  }
0x7d: {  	v12 =	vsub.f32 v13, v3;
	v13 =	vpop (erf)  }
0x7e: {  	v14 =	vmul.f32 $1.442695020e+00, v14;
	v11 =	vld [tilespmem:s22+$0x10];
	(erf) = vpow2.f32 v7;
	v4 =	vadd.f32 v13, v4  }
0x7f: {  	s21 =	simm.s32 $0x8;
	s22 =	simm.s32 $0xE0;
	v7 =	vpop (erf);
	v13 =	vsub.f32 v63, v3  }
.LBB2_5:
0x80: {  	v15 =	vld [tilespmem:s22+$0xFFFFFFE0];
	v12 =	vmul.f32 $1.442695020e+00, v12;
	(erf) = vpow2.f32 v14;
	v4 =	vadd.f32 v7, v4  }
0x81: {  	s21 =	sadd.s32 $0x4, s21;
	v7 =	vsub.f32 v10, v3;
	v10 =	vpop (erf)  }
0x82: {  	p0 =	slt.u32 s21, $0x1FC;
	v17 =	vmul.f32 $1.442695020e+00, v13;
	v16 =	vld [tilespmem:s22+$0xFFFFFFF0];
	(erf) = vpow2.f32 v12;
	v4 =	vadd.f32 v10, v4  }
.Ltmp1:
0x83: {  	v14 =	vsub.f32 v11, v3;
	v11 =	vpop (erf);
	(pc) =	sbr.rel @p0 .LBB2_5-.Ltmp1, $4  }
0x84: {  	v18 =	vmul.f32 $1.442695020e+00, v7;
	v10 =	vld [tilespmem:s22+$0x0];
	(erf) = vpow2.f32 v17;
	v4 =	vadd.f32 v11, v4  }
0x85: {  	v12 =	vsub.f32 v15, v3;
	v13 =	vpop (erf)  }
0x86: {  	v14 =	vmul.f32 $1.442695020e+00, v14;
	v11 =	vld [tilespmem:s22+$0x10];
	(erf) = vpow2.f32 v18;
	v4 =	vadd.f32 v13, v4  }
0x87: {  	s22 =	sadd.s32 $0x40, s22;
	v13 =	vsub.f32 v16, v3;
	v7 =	vpop (erf)  }
0x88: {  	_ =	sdelay $0x1  }
0x89: {  	v12 =	vmul.f32 $1.442695020e+00, v12;
	v10 =	vsub.f32 v10, v3  }
0x8a: {  	(erf) = vpow2.f32 v14;
	v13 =	vmul.f32 $1.442695020e+00, v13;
	v11 =	vsub.f32 v11, v3  }
0x8b: {  	(erf) = vpow2.f32 v12;
	v10 =	vmul.f32 $1.442695020e+00, v10  }
0x8c: {  	(erf) = vpow2.f32 v13;
	v11 =	vmul.f32 $1.442695020e+00, v11  }
0x8d: {  	(erf) = vpow2.f32 v10  }
0x8e: {  	(erf) = vpow2.f32 v11  }
0x8f: {  	v10 =	vpop (erf)  }
0x90: {  	v11 =	vpop (erf)  }
0x91: {  	p0 =	seq.s32 s19, $0x4;
	v12 =	vpop (erf)  }
0x92: {  	s20 =	sadd.s32 @!p0 s20, s8;
	v13 =	vpop (erf)  }
0x93: {  	s20 =	sshrl.u32 @!p0 s20, $0x3;
	v14 =	vpop (erf)  }
0x94: {  	s22 =	simm.s32 @!p0 $0x0;
	s21 =	sadd.s32 @!p0 s1, s20;
	v15 =	vpop (erf)  }
0x95: {  	[tilespmem:s22], [sflag:$0x1] =	stream.linear.gather @!p0 [hbm4b:s21+s22], $0x2000, $0x38;
	v16 =	vpop (erf);
	[tilespmem:$0x8400] =	vst v63  }
0x96: {  	s20 =	sadd.s32 @!p0 s3, s20;
	s21 =	simm.s32 @!p0 $0x2000;
	v17 =	vpop (erf)  }
0x97: {  	[tilespmem:s21], [sflag:$0x1] =	stream.linear.gather @!p0 [hbm4b:s20+s22], $0x2000, $0x38;
	v18 =	vpop (erf);
	[tilespmem:$0x8400] =	vst v63  }
0x98: {  	_ =	swait.ge [sflag:s15], $0x2000  }
0x99: {  	[sflag:s15] =	ssyncset.done $0x0  }
0x9a: {  	[sflag:s15] =	ssyncadd.s32 $0xFFFFE000  }
0x9b: {  	_ =	swait.ge [sflag:s15], $0x2000  }
0x9c: {  	[sflag:s15] =	ssyncset.done $0x0  }
0x9d: {  	s28 =	simm.s32 $0x4020;
	v4 =	vadd.f32 v7, v4;
	[sflag:s15] =	ssyncadd.s32 $0xFFFFE000  }
0x9e: {  	v7 =	vld [tilespmem:s28+$0xFFFFFFE0]  }
0x9f: {  	v4 =	vadd.f32 v10, v4;
	_ =	sdelay $0x1  }
0xa0: {  	v4 =	vadd.f32 v11, v4;
	_ =	sdelay $0x1  }
0xa1: {  	v4 =	vadd.f32 v12, v4;
	v10 =	vld [tilespmem:s28+$0xFFFFFFF0];
	v19 =	vsub.f32 $0.0e+00, v7;
	_ =	sdelay $0x1  }
0xa2: {  	v4 =	vadd.f32 v13, v4;
	v11 =	vld [tilespmem:s28+$0x0];
	v19 =	vmul.f32 $1.442695020e+00, v19;
	_ =	sdelay $0x1  }
0xa3: {  	v4 =	vadd.f32 v14, v4;
	v12 =	vld [tilespmem:s28+$0x10];
	(erf) = vpow2.f32 v19  }
0xa4: {  	v13 =	vsub.f32 $0.0e+00, v10  }
0xa5: {  	s29 =	simm.s32 $0x6020;
	v4 =	vadd.f32 v15, v4  }
0xa6: {  	v15 =	vld [tilespmem:s29+$0xFFFFFFE0];
	v14 =	vsub.f32 $0.0e+00, v11;
	v13 =	vmul.f32 $1.442695020e+00, v13  }
0xa7: {  	v4 =	vadd.f32 v16, v4  }
0xa8: {  	v14 =	vmul.f32 $1.442695020e+00, v14;
	v19 =	vsub.f32 $0.0e+00, v12;
	(erf) = vpow2.f32 v13  }
0xa9: {  	v4 =	vadd.f32 v17, v4;
	v17 =	vld [tilespmem:s29+$0xFFFFFFF0]  }
0xaa: {  	(erf) = vpow2.f32 v14;
	v13 =	vmul.f32 $1.442695020e+00, v19;
	v14 =	vimm.f32 $-1.000000020e+30  }
0xab: {  	v16 =	vld [tilespmem:s29+$0x0];
	vm0 =	vgt.f32 v15, v7;
	v14 =	vmax.f32 v14, v7  }
0xac: {  	(erf) = vpow2.f32 v13;
	v13 =	vmax.f32 v14, v10;
	v14 =	vmul.f32 v15, v7;
	v7 =	vpop (erf)  }
0xad: {  	v20 =	vnsel vm0, $0x0, v15;
	v7 =	vadd.f32 $1.000000000e+00, v7  }
0xae: {  	v5 =	vadd.f32 v15, v5;
	vm1 =	vgt.f32 v17, v10;
	v9 =	vadd.f32 v20, v9;
	v19 =	vld [tilespmem:s29+$0x10]  }
0xaf: {  	v4 =	vadd.f32 v18, v4;
	v22 =	vnsel vm1, $0x0, v17  }
0xb0: {  	v20 =	vmul.f32 v16, v11;
	v5 =	vadd.f32 v17, v5;
	v9 =	vadd.f32 v22, v9  }
0xb1: {  	v13 =	vmax.f32 v13, v11;
	v18 =	vnsel vm0, $0x0, v14;
	(erf) = vrcp.f32 v7;
	v7 =	vpop (erf)  }
0xb2: {  	v8 =	vadd.f32 v18, v8;
	v18 =	vmul.f32 v17, v10;
	v7 =	vadd.f32 $1.000000000e+00, v7  }
0xb3: {  	vm0 =	vgt.f32 v16, v11;
	v6 =	vadd.f32 v14, v6;
	v10 =	vmul.f32 v19, v12  }
0xb4: {  	s30 =	simm.s32 $0x4060;
	vm2 =	vgt.f32 v19, v12;
	v23 =	vnsel vm0, $0x0, v20;
	v11 =	vnsel vm1, $0x0, v18  }
0xb5: {  	v14 =	vld [tilespmem:s30+$0xFFFFFFE0];
	v6 =	vadd.f32 v18, v6;
	v8 =	vadd.f32 v11, v8;
	v11 =	vnsel vm0, $0x0, v16;
	v21 =	vpop (erf)  }
0xb6: {  	v9 =	vadd.f32 v11, v9;
	v21 =	vadd.f32 $1.000000000e+00, v21;
	(erf) = vrcp.f32 v7;
	v7 =	vpop (erf)  }
0xb7: {  	v11 =	vmax.f32 v13, v12;
	v8 =	vadd.f32 v23, v8;
	v7 =	vadd.f32 $1.000000000e+00, v7  }
0xb8: {  	v18 =	vld [tilespmem:s30+$0x0];
	v6 =	vadd.f32 v20, v6;
	(erf) = vrcp.f32 v21;
	v21 =	vnsel vm2, $0x0, v10  }
0xb9: {  	s31 =	simm.s32 $0x6060;
	v22 =	vld [tilespmem:s30+$0xFFFFFFF0];
	v21 =	vadd.f32 v21, v8;
	(erf) = vrcp.f32 v7;
	v7 =	vnsel vm2, $0x0, v19  }
0xba: {  	v8 =	vld [tilespmem:s31+$0xFFFFFFE0];
	v12 =	vadd.f32 v7, v9;
	v9 =	vmax.f32 v11, v14;
	v11 =	vsub.f32 $0.0e+00, v14;
	_ =	sdelay $0x1  }
0xbb: {  	v5 =	vadd.f32 v16, v5;
	v23 =	vadd.f32 v10, v6;
	v7 =	vpop (erf);
	v6 =	vmul.f32 $1.442695020e+00, v11  }
0xbc: {  	v13 =	vsub.f32 $0.0e+00, v18;
	v15 =	vsub.f32 v7, v15;
	v7 =	vld [tilespmem:s30+$0x10]  }
0xbd: {  	v10 =	vsub.f32 $0.0e+00, v22;
	(erf) = vpow2.f32 v6  }
0xbe: {  	v5 =	vadd.f32 v19, v5;
	v26 =	vmul.f32 $1.442695020e+00, v13;
	v24 =	vmul.f32 v8, v14  }
0xbf: {  	v25 =	vmul.f32 $1.442695020e+00, v10;
	v10 =	vld [tilespmem:s31+$0xFFFFFFF0];
	v9 =	vmax.f32 v9, v22;
	vm0 =	vgt.f32 v8, v14;
	v20 =	vpop (erf)  }
0xc0: {  	v13 =	vadd.f32 v8, v5;
	v11 =	vmax.f32 v9, v18;
	v14 =	vpop (erf);
	v6 =	vnsel vm0, $0x0, v24  }
0xc1: {  	v9 =	vld [tilespmem:s31+$0x0];
	v14 =	vsub.f32 v14, v16;
	(erf) = vpow2.f32 v25;
	v27 =	vsub.f32 $0.0e+00, v7  }
0xc2: {  	v5 =	vld [tilespmem:s31+$0x10];
	v25 =	vnsel vm0, $0x0, v8;
	v15 =	vand.u32 $0x7FFFFFFF, v15;
	(erf) = vpow2.f32 v26;
	v16 =	vpop (erf)  }
0xc3: {  	v16 =	vsub.f32 v16, v19;
	v19 =	vadd.f32 v25, v12;
	v12 =	vmul.f32 $1.442695020e+00, v27  }
0xc4: {  	vm2 =	vgt.f32 v10, v22;
	v21 =	vadd.f32 v6, v21;
	v6 =	vmul.f32 v10, v22  }
0xc5: {  	v17 =	vsub.f32 v20, v17;
	vm1 =	vle.f32 v15, $1.000000950e+00;
	(erf) = vpow2.f32 v12  }
0xc6: {  	vm0 =	vgt.f32 v9, v18;
	v20 =	vsel vm1, $0x3F800000, v0;
	v22 =	vnsel vm2, $0x0, v6;
	v15 =	vpop (erf)  }
0xc7: {  	vm1 =	vgt.f32 v5, v7;
	v20 =	vadd.f32 v20, v2;
	v27 =	vadd.f32 $1.000000000e+00, v15  }
0xc8: {  	v21 =	vadd.f32 v22, v21;
	v22 =	vadd.f32 v24, v23;
	v25 =	vand.u32 $0x7FFFFFFF, v14  }
0xc9: {  	v14 =	vmul.f32 v9, v18;
	v18 =	vand.u32 $0x7FFFFFFF, v17;
	v2 =	vnsel vm1, $0x0, v5  }
0xca: {  	vm3 =	vle.f32 v25, $1.000000950e+00;
	v25 =	vnsel vm2, $0x0, v10;
	vm2 =	vle.f32 v18, $1.000000950e+00;
	v28 =	vpop (erf)  }
0xcb: {  	v26 =	vand.u32 $0x7FFFFFFF, v16;
	v28 =	vadd.f32 $1.000000000e+00, v28;
	(erf) = vrcp.f32 v27;
	v27 =	vpop (erf)  }
0xcc: {  	v17 =	vnsel vm0, $0x0, v14;
	v16 =	vsel vm3, $0x3F800000, v0;
	v27 =	vadd.f32 $1.000000000e+00, v27  }
0xcd: {  	v19 =	vadd.f32 v25, v19;
	v12 =	vmul.f32 v5, v7;
	(erf) = vrcp.f32 v28  }
0xce: {  	v24 =	vsel vm2, $0x3F800000, v0;
	v15 =	vnsel vm0, $0x0, v9;
	(erf) = vrcp.f32 v27;
	v25 =	vpop (erf)  }
0xcf: {  	s20 =	simm.s32 $0x4;
	s21 =	simm.s32 $0x60A0;
	s22 =	simm.s32 $0x40A0;
	v18 =	vnsel vm1, $0x0, v12;
	vm0 =	vle.f32 v26, $1.000000950e+00;
	v23 =	vadd.f32 $1.000000000e+00, v25  }
.LBB2_7:
0xd0: {  	v25 =	vld [tilespmem:s22+$0xFFFFFFE0];
	s20 =	sadd.s32 $0x4, s20;
	v17 =	vadd.f32 v17, v21;
	v7 =	vmax.f32 v11, v7;
	v11 =	vadd.f32 v24, v20  }
0xd1: {  	v21 =	vadd.f32 v15, v19;
	v20 =	vld [tilespmem:s22+$0xFFFFFFF0];
	p0 =	slt.u32 s20, $0x1FC;
	v6 =	vadd.f32 v6, v22;
	(erf) = vrcp.f32 v23  }
0xd2: {  	v19 =	vld [tilespmem:s22+$0x0];
	v17 =	vadd.f32 v18, v17;
	v11 =	vadd.f32 v16, v11  }
0xd3: {  	v13 =	vadd.f32 v10, v13;
	v16 =	vld [tilespmem:s21+$0xFFFFFFE0];
	v18 =	vadd.f32 v14, v6;
	v14 =	vsel vm0, $0x3F800000, v0  }
0xd4: {  	v2 =	vadd.f32 v2, v21;
	v15 =	vpop (erf);
	v21 =	vadd.f32 v14, v11  }
0xd5: {  	v7 =	vmax.f32 v7, v25;
	v11 =	vsub.f32 $0.0e+00, v25;
	v14 =	vsub.f32 v15, v8  }
0xd6: {  	v13 =	vadd.f32 v9, v13;
	v22 =	vadd.f32 v12, v18;
	v26 =	vmax.f32 v7, v20;
	v7 =	vld [tilespmem:s22+$0x10];
	v6 =	vpop (erf)  }
0xd7: {  	v15 =	vsub.f32 $0.0e+00, v20;
	v12 =	vmul.f32 $1.442695020e+00, v11;
	v11 =	vmax.f32 v26, v19;
	v18 =	vpop (erf)  }
0xd8: {  	v24 =	vsub.f32 $0.0e+00, v19;
	v23 =	vmul.f32 v16, v25;
	vm0 =	vgt.f32 v16, v25;
	v8 =	vmovc v16  }
0xd9: {  	v15 =	vmul.f32 $1.442695020e+00, v15;
	(erf) = vpow2.f32 v12;
	v12 =	vadd.f32 v5, v13  }
0xda: {  	v18 =	vsub.f32 v18, v9;
	v24 =	vmul.f32 $1.442695020e+00, v24;
	v16 =	vnsel vm0, $0x0, v23;
	v9 =	vld [tilespmem:s21+$0x0];
	v25 =	vpop (erf)  }
0xdb: {  	v13 =	vadd.f32 v8, v12;
	v12 =	vld [tilespmem:s21+$0xFFFFFFF0];
	v26 =	vsub.f32 $0.0e+00, v7;
	(erf) = vpow2.f32 v15  }
0xdc: {  	v15 =	vnsel vm0, $0x0, v8;
	(erf) = vpow2.f32 v24;
	v24 =	vsub.f32 v25, v5;
	v5 =	vld [tilespmem:s21+$0x10]  }
0xdd: {  	v18 =	vand.u32 $0x7FFFFFFF, v18;
	v2 =	vadd.f32 v15, v2;
	v15 =	vmul.f32 $1.442695020e+00, v26  }
0xde: {  	v25 =	vadd.f32 v16, v17;
	v16 =	vand.u32 $0x7FFFFFFF, v14;
	v17 =	vsub.f32 v6, v10  }
0xdf: {  	v24 =	vand.u32 $0x7FFFFFFF, v24;
	v14 =	vmul.f32 v9, v19;
	(erf) = vpow2.f32 v15  }
0xe0: {  	vm1 =	vle.f32 v16, $1.000000950e+00;
	vm0 =	vgt.f32 v9, v19;
	v6 =	vmul.f32 v12, v20;
	v10 =	vmovc v12  }
0xe1: {  	v19 =	vsel vm1, $0x3F800000, v0;
	vm2 =	vgt.f32 v10, v20;
	v12 =	vmul.f32 v5, v7  }
0xe2: {  	vm1 =	vgt.f32 v5, v7;
	v20 =	vand.u32 $0x7FFFFFFF, v17;
	v26 =	vnsel vm2, $0x0, v6;
	v15 =	vpop (erf)  }
0xe3: {  	vm3 =	vle.f32 v18, $1.000000950e+00;
	v27 =	vadd.f32 $1.000000000e+00, v15;
	v15 =	vnsel vm0, $0x0, v9  }
0xe4: {  	v16 =	vsel vm3, $0x3F800000, v0;
	v17 =	vnsel vm0, $0x0, v14;
	v28 =	vnsel vm2, $0x0, v10;
	v18 =	vpop (erf)  }
.Ltmp2:
0xe5: {  	vm2 =	vle.f32 v20, $1.000000950e+00;
	v29 =	vadd.f32 $1.000000000e+00, v18;
	(erf) = vrcp.f32 v27;
	v18 =	vpop (erf);
	(pc) =	sbr.rel @p0 .LBB2_7-.Ltmp2, $4  }
0xe6: {  	v20 =	vadd.f32 v19, v21;
	v27 =	vadd.f32 $1.000000000e+00, v18;
	v18 =	vnsel vm1, $0x0, v12  }
0xe7: {  	v19 =	vadd.f32 v28, v2;
	v21 =	vadd.f32 v26, v25;
	(erf) = vrcp.f32 v29  }
0xe8: {  	v2 =	vnsel vm1, $0x0, v5;
	vm0 =	vle.f32 v24, $1.000000950e+00;
	(erf) = vrcp.f32 v27;
	v25 =	vpop (erf)  }
0xe9: {  	s22 =	sadd.s32 $0x40, s22;
	v22 =	vadd.f32 v23, v22;
	s21 =	sadd.s32 $0x40, s21;
	v24 =	vsel vm2, $0x3F800000, v0;
	v23 =	vadd.f32 $1.000000000e+00, v25  }
0xea: {  	v15 =	vadd.f32 v15, v19  }
0xeb: {  	s20 =	simm.s32 $0x4020;
	(erf) = vrcp.f32 v23  }
0xec: {  	v17 =	vadd.f32 v17, v21;
	v20 =	vadd.f32 v24, v20;
	v11 =	vmax.f32 v11, v7;
	v56 =	vld [tilespmem:s20+$0xFFFFFFE0]  }
0xed: {  	v13 =	vadd.f32 v10, v13;
	v7 =	vadd.f32 v2, v15;
	v2 =	vmax.f32 v3, v11;
	v11 =	vld [tilespmem:s20+$0xFFFFFFF0]  }
0xee: {  	v55 =	vadd.f32 v6, v22;
	v3 =	vsub.f32 v3, v2;
	v15 =	vpop (erf)  }
0xef: {  	v57 =	vsel vm0, $0x3F800000, v0;
	v6 =	vadd.f32 v18, v17;
	v8 =	vsub.f32 v15, v8  }
0xf0: {  	v16 =	vadd.f32 v16, v20;
	v13 =	vadd.f32 v9, v13;
	v15 =	vld [tilespmem:s20+$0x0];
	v3 =	vmul.f32 $1.442695020e+00, v3  }
0xf1: {  	v14 =	vadd.f32 v14, v55;
	v58 =	vpop (erf);
	v17 =	vsub.f32 v56, v2;
	v8 =	vand.u32 $0x7FFFFFFF, v8  }
0xf2: {  	v59 =	vpop (erf);
	v10 =	vsub.f32 v58, v10;
	(erf) = vpow2.f32 v3;
	v3 =	vsub.f32 v11, v2  }
0xf3: {  	v16 =	vadd.f32 v57, v16;
	v9 =	vsub.f32 v59, v9;
	vm12 =	vle.f32 v8, $1.000000950e+00  }
0xf4: {  	v11 =	vmul.f32 $1.442695020e+00, v17;
	v10 =	vand.u32 $0x7FFFFFFF, v10;
	v3 =	vmul.f32 $1.442695020e+00, v3;
	v8 =	vpop (erf)  }
0xf5: {  	v61 =	vld [tilespmem:s20+$0x10];
	v15 =	vsub.f32 v15, v2;
	v60 =	vsub.f32 v8, v5;
	v8 =	vsel vm12, $0x3F800000, v0  }
0xf6: {  	s31 =	simm.s32 $0x4060;
	(erf) = vpow2.f32 v11;
	vm13 =	vle.f32 v10, $1.000000950e+00;
	v8 =	vadd.f32 v8, v16  }
0xf7: {  	v10 =	vld [tilespmem:s31+$0xFFFFFFE0];
	v9 =	vand.u32 $0x7FFFFFFF, v9;
	v11 =	vmul.f32 $1.442695020e+00, v15;
	v15 =	vsel vm13, $0x3F800000, v0  }
0xf8: {  	v62 =	vld [tilespmem:s31+$0xFFFFFFF0];
	(erf) = vpow2.f32 v3;
	vm14 =	vle.f32 v9, $1.000000950e+00;
	v3 =	vadd.f32 v15, v8  }
0xf9: {  	(erf) = vpow2.f32 v11;
	v8 =	vadd.f32 v12, v14;
	v11 =	vand.u32 $0x7FFFFFFF, v60  }
0xfa: {  	v9 =	vld [tilespmem:s31+$0x0];
	v12 =	vsel vm14, $0x3F800000, v0;
	vm15 =	vle.f32 v11, $1.000000950e+00;
	v11 =	vsub.f32 v61, v2  }
0xfb: {  	v14 =	vld [tilespmem:s31+$0x10];
	v3 =	vadd.f32 v12, v3;
	v12 =	vsel vm15, $0x3F800000, v0  }
0xfc: {  	v10 =	vsub.f32 v10, v2;
	v11 =	vmul.f32 $1.442695020e+00, v11  }
0xfd: {  	s21 =	simm.s32 $0x40A0;
	v5 =	vadd.f32 v5, v13;
	v15 =	vsub.f32 v62, v2  }
0xfe: {  	v13 =	vld [tilespmem:s21+$0xFFFFFFE0];
	v10 =	vmul.f32 $1.442695020e+00, v10;
	v3 =	vadd.f32 v12, v3;
	v12 =	vpop (erf);
	(erf) = vpow2.f32 v11  }
0xff: {  	v11 =	vmul.f32 $1.442695020e+00, v15;
	v4 =	vmul.f32 v12, v4  }
0x100: {  	v63 =	vld [tilespmem:s21+$0xFFFFFFF0];
	v9 =	vsub.f32 v9, v2;
	v12 =	vsub.f32 v14, v2;
	v14 =	vpop (erf);
	(erf) = vpow2.f32 v10  }
0x101: {  	v14 =	vadd.f32 v14, v4  }
0x102: {  	v15 =	vmul.f32 $1.442695020e+00, v9;
	(erf) = vpow2.f32 v11;
	v4 =	vld [tilespmem:s21+$0x0]  }
0x103: {  	v10 =	vsub.f32 v13, v2;
	v11 =	vpop (erf)  }
0x104: {  	v9 =	vld [tilespmem:s21+$0x10];
	v12 =	vmul.f32 $1.442695020e+00, v12;
	(erf) = vpow2.f32 v15;
	v13 =	vadd.f32 v11, v14  }
0x105: {  	s20 =	simm.s32 $0x8;
	s21 =	simm.s32 $0x40E0;
	v11 =	vsub.f32 v63, v2;
	v14 =	vpop (erf)  }
.LBB2_9:
0x106: {  	v15 =	vld [tilespmem:s21+$0xFFFFFFE0];
	v10 =	vmul.f32 $1.442695020e+00, v10;
	(erf) = vpow2.f32 v12;
	v12 =	vadd.f32 v14, v13  }
0x107: {  	s20 =	sadd.s32 $0x4, s20;
	v13 =	vsub.f32 v4, v2;
	v4 =	vpop (erf)  }
0x108: {  	p0 =	slt.u32 s20, $0x1FC;
	v11 =	vmul.f32 $1.442695020e+00, v11;
	v14 =	vld [tilespmem:s21+$0xFFFFFFF0];
	(erf) = vpow2.f32 v10;
	v10 =	vadd.f32 v4, v12  }
.Ltmp3:
0x109: {  	v12 =	vsub.f32 v9, v2;
	v9 =	vpop (erf);
	(pc) =	sbr.rel @p0 .LBB2_9-.Ltmp3, $4  }
0x10a: {  	v13 =	vmul.f32 $1.442695020e+00, v13;
	v4 =	vld [tilespmem:s21+$0x0];
	(erf) = vpow2.f32 v11;
	v11 =	vadd.f32 v9, v10  }
0x10b: {  	v10 =	vsub.f32 v15, v2;
	v15 =	vpop (erf)  }
0x10c: {  	v12 =	vmul.f32 $1.442695020e+00, v12;
	v9 =	vld [tilespmem:s21+$0x10];
	(erf) = vpow2.f32 v13;
	v13 =	vadd.f32 v15, v11  }
0x10d: {  	s21 =	sadd.s32 $0x40, s21;
	v11 =	vsub.f32 v14, v2;
	v14 =	vpop (erf)  }
0x10e: {  	v10 =	vmul.f32 $1.442695020e+00, v10;
	v61 =	vadd.f32 v14, v13  }
0x10f: {  	(erf) = vpow2.f32 v12;
	v62 =	vpop (erf)  }
0x110: {  	v11 =	vmul.f32 $1.442695020e+00, v11;
	(erf) = vpow2.f32 v10;
	v10 =	vadd.f32 v62, v61  }
0x111: {  	v4 =	vsub.f32 v4, v2;
	v63 =	vpop (erf)  }
0x112: {  	v9 =	vsub.f32 v9, v2;
	v10 =	vadd.f32 v63, v10  }
0x113: {  	v4 =	vmul.f32 $1.442695020e+00, v4;
	(erf) = vpow2.f32 v11  }
0x114: {  	v11 =	vpop (erf);
	v9 =	vmul.f32 $1.442695020e+00, v9  }
0x115: {  	(erf) = vpow2.f32 v4;
	v4 =	vadd.f32 v11, v10  }
0x116: {  	v10 =	vpop (erf)  }
0x117: {  	(erf) = vpow2.f32 v9;
	v4 =	vadd.f32 v10, v4  }
0x118: {  	v9 =	vpop (erf)  }
0x119: {  	v4 =	vadd.f32 v9, v4  }
0x11a: {  	v9 =	vpop (erf)  }
0x11b: {  	s19 =	sadd.s32 $0x1, s19;
	v4 =	vadd.f32 v9, v4  }
0x11c: {  	p0 =	sne.s32 s19, $0x5;
	v9 =	vpop (erf)  }
.Ltmp4:
0x11d: {  	v4 =	vadd.f32 v9, v4;
	(pc) =	sbr.rel @p0 .LBB2_2-.Ltmp4, $4  }
0x11e: {  	v9 =	vpop (erf)  }
0x11f: {  	v4 =	vadd.f32 v9, v4  }
0x120: {  	v9 =	vpop (erf)  }
0x121: {  	v4 =	vadd.f32 v9, v4  }
0x122: {  	[tilespmem:$0x8000] =	vst v2  }
0x123: {  	[tilespmem:$0x8100] =	vst v5  }
0x124: {  	[tilespmem:$0x8180] =	vst v8  }
0x125: {  	[tilespmem:$0x8200] =	vst v7  }
0x126: {  	[tilespmem:$0x8280] =	vst v6  }
0x127: {  	[tilespmem:$0x8300] =	vst v3;
	s18 =	sadd.s32 $0x1, s18  }
0x128: {  	[tilespmem:$0x8380] =	vst v0;
	p0 =	sne.s32 s18, s10  }
.Ltmp5:
0x129: {  	[tilespmem:$0x8080] =	vst v4;
	(pc) =	sbr.rel @p0 .LBB2_1-.Ltmp5, $4  }
0x12a: {  	[hbm4b:s9+s4] =	stream.linear.scatter [tilespmem:s16], [sflag:$0x3], $0x400, $0x38;
	[tilespmem:$0x8400] =	vst v63  }
0x12b: {  	_ =	swait.ge [sflag:s17], $0x400  }
0x12c: {  	[sflag:s17] =	ssyncset.done $0x0  }
0x12d: {  	[sflag:s17] =	ssyncadd.s32 $0xFFFFFC00  }
0x12e: {  	_ =	sfence.sel $0x180000  }
0x12f: {  	[bflag:$0x0] =	sbarrier.arrive $0xFFFF  }
0x130: {  	p0 =	sne.s32 s0, $0x0;
	_ =	strace $0x90000047  }
0x131: {  	s0 =	sadd.s32 @!p0 $0x100000, s2;
	[bflag:$0x2] =	sbarrier.arrive $0xFFFF  }
0x132: {  	[sflag:s0] =	ssyncadd.tile.s32 @!p0 $0x1;
	_ =	shalt  }
.Lfunc_end2:
_tile_overlayer_lowered:
.L_overlay_start_2:
0x133: {  	(tag) =	ssettag $0x2  }
0x134: {  	s0 =	rddreg [dreg:$0x0];
	s2 =	stileid.u32  }
0x135: {  	s1 =	rddreg [dreg:$0x1];
	p0 =	sne.s32 s2, $0x0  }
0x136: {  	s3 =	rddreg [dreg:$0x2];
	[bflag:$0x3] =	sbarrier.arrive $0xFFFF;
	s2 =	simm.s32 @!p0 $0x1C03  }
0x137: {  	[timem:s3], [sflag:s2] =	dma.local @!p0 [hbm:s0], s1  }
0x138: {  	s0 =	simm.s32 @!p0 $0x3  }
0x139: {  	_ =	swait.ge @!p0 [sflag:s0], s1  }
0x13a: {  	s1 =	ssub.s32 @!p0 $0x0, s1;
	[sflag:s0] =	ssyncset.done @!p0 $0x0  }
0x13b: {  	[sflag:s0] =	ssyncadd.s32 @!p0 s1  }
0x13c: {  	[bflag:$0x3] =	sbarrier.arrive $0xFFFF  }
0x13d: {  	_ =	shalt  }

</sc_bundles>
